<compile_context>
chip_gen: v7x
topology: tpu7x:2x2x1
jax: 0.10.2.dev20260603
libtpu: 0.0.44.dev20260713+nightly
codegen_flags: <defaults>
</compile_context>

<pallas_src>
import dataclasses
import functools

import jax
import jax.numpy as jnp
from jax import lax
from jax.experimental import pallas as pl
from jax.experimental.pallas import tpu as pltpu
from jax.experimental.pallas import tpu_sc as plsc

_N = 10000
_D = 128
_K = 5000
_NW = 32
_PER = 160
_IPAD = 5120
_CTAIL = _K - 8
_XG = 8


def _compiler_params():
  cp = pltpu.CompilerParams()
  if "needs_layout_passes" in pltpu.CompilerParams.__dataclass_fields__:
    cp = dataclasses.replace(cp, needs_layout_passes=False)
  return cp


def _sc_gather(A, X, idx_pad, val_pad):
  mesh = plsc.VectorSubcoreMesh(core_axis_name="c", subcore_axis_name="s")

  @functools.partial(
      pl.kernel,
      compiler_params=_compiler_params(),
      out_type=(jax.ShapeDtypeStruct((_K, _K), jnp.float32),
                jax.ShapeDtypeStruct((_K, _D), jnp.float32)),
      mesh=mesh,
      scratch_types=[
          pltpu.VMEM((_K,), jnp.int32),
          pltpu.VMEM((_N,), jnp.float32),
          pltpu.VMEM((_N,), jnp.float32),
          pltpu.VMEM((_N,), jnp.float32),
          pltpu.VMEM((_N,), jnp.float32),
          pltpu.VMEM((_N,), jnp.float32),
          pltpu.VMEM((_N,), jnp.float32),
          pltpu.VMEM((_K,), jnp.float32),
          pltpu.VMEM((_K,), jnp.float32),
          pltpu.VMEM((_K,), jnp.float32),
          pltpu.VMEM((_K,), jnp.float32),
          pltpu.VMEM((_K,), jnp.float32),
          pltpu.VMEM((_K,), jnp.float32),
          pltpu.VMEM((_PER * _D,), jnp.float32),
          pltpu.VMEM((_K,), jnp.float32),
          pltpu.SemaphoreType.DMA,
          pltpu.SemaphoreType.DMA,
          pltpu.SemaphoreType.DMA,
          pltpu.SemaphoreType.DMA,
          pltpu.SemaphoreType.DMA,
          pltpu.SemaphoreType.DMA,
          pltpu.SemaphoreType.DMA,
          pltpu.SemaphoreType.DMA,
      ],
  )
  def k(A_hbm, X_hbm, idx_hbm, val_hbm, outA_hbm, outX_hbm,
        idx_v, a00, a01, a10, a11, a20, a21, o00, o01, o10, o11, o20, o21,
        xbuf, val_v, semA0, semA1, semA2, semW0, semW1, semW2, semX, semXW):
    arow = ((a00, a01), (a10, a11), (a20, a21))
    orow = ((o00, o01), (o10, o11), (o20, o21))
    semA = (semA0, semA1, semA2)
    semW = (semW0, semW1, semW2)
    wid = lax.axis_index("s") * 2 + lax.axis_index("c")
    base = 156 * wid + 2 * jnp.minimum(wid, 4)
    nvalid = jnp.where(wid < 4, 158, 156)
    pltpu.sync_copy(idx_hbm, idx_v)
    pltpu.sync_copy(val_hbm, val_v)
    iota = lax.iota(jnp.int32, 16)
    tail_mask = iota < 8

    def _src_g(jg):
      v = plsc.load_gather(idx_v, [jnp.full((16,), jg, jnp.int32)])
      return jnp.max(v)

    def _src(j):
      return _src_g(base + j)

    def _fetch(j, buf):
      @pl.when(j < nvalid)
      def _():
        pltpu.make_async_copy(A_hbm.at[_src(j)], arow[buf][0],
                              semA[buf]).start()
        pltpu.make_async_copy(A_hbm.at[_src(j + 1)], arow[buf][1],
                              semA[buf]).start()

    def _process(j, buf):
      @pl.when(j < nvalid)
      def _():
        pltpu.make_async_copy(A_hbm.at[0], arow[buf][0], semA[buf]).wait()
        pltpu.make_async_copy(A_hbm.at[0], arow[buf][1], semA[buf]).wait()

        @plsc.parallel_loop(0, _CTAIL, step=16, unroll=8)
        def _cols(c):
          cols = idx_v[pl.ds(c, 16)]
          orow[buf][0][pl.ds(c, 16)] = plsc.load_gather(arow[buf][0], [cols])
          orow[buf][1][pl.ds(c, 16)] = plsc.load_gather(arow[buf][1], [cols])

        cols_raw = plsc.load_gather(
            idx_v, [jnp.minimum(iota + _CTAIL, _K - 1)])
        cols = jnp.where(tail_mask, cols_raw, 0)
        pos = iota + _CTAIL
        plsc.store_scatter(orow[buf][0], [pos],
                           plsc.load_gather(arow[buf][0], [cols]),
                           mask=tail_mask)
        plsc.store_scatter(orow[buf][1], [pos],
                           plsc.load_gather(arow[buf][1], [cols]),
                           mask=tail_mask)
        pltpu.make_async_copy(orow[buf][0], outA_hbm.at[base + j],
                              semW[buf]).start()
        pltpu.make_async_copy(orow[buf][1], outA_hbm.at[base + j + 1],
                              semW[buf]).start()

    def _drain(j, buf):
      @pl.when(j < nvalid)
      def _():
        pltpu.make_async_copy(orow[buf][0], outA_hbm.at[0], semW[buf]).wait()
        pltpu.make_async_copy(orow[buf][1], outA_hbm.at[0], semW[buf]).wait()

    _fetch(0, 0)
    _fetch(2, 1)
    _fetch(4, 2)

    @pl.loop(0, _PER, step=_XG)
    def _xgroup(g):
      @plsc.parallel_loop(0, _XG)
      def _xin(u):
        j = jnp.minimum(base + g + u, _K - 1)
        pltpu.make_async_copy(X_hbm.at[_src_g(j)],
                              xbuf.at[pl.ds((g + u) * _D, _D)], semX).start()

      @pl.loop(0, _XG)
      def _xscale(u):
        j = jnp.minimum(base + g + u, _K - 1)
        pltpu.make_async_copy(X_hbm.at[0], xbuf.at[pl.ds((g + u) * _D, _D)],
                              semX).wait()
        vv = plsc.load_gather(val_v, [jnp.full((16,), j, jnp.int32)])

        @plsc.parallel_loop(0, _D, step=16, unroll=8)
        def _xs(c):
          q = (g + u) * _D + c
          xbuf[pl.ds(q, 16)] = xbuf[pl.ds(q, 16)] * vv

      @pl.when(g > 0)
      def _():
        @pl.loop(0, _XG)
        def _xdrain(u):
          pltpu.make_async_copy(xbuf.at[pl.ds(u * _D, _D)],
                                outX_hbm.at[0], semXW).wait()

      @pl.loop(0, _XG)
      def _xout(u):
        j = jnp.minimum(base + g + u, _K - 1)
        pltpu.make_async_copy(xbuf.at[pl.ds((g + u) * _D, _D)],
                              outX_hbm.at[j], semXW).start()

    @pl.loop(0, _XG)
    def _xdrain_last(u):
      pltpu.make_async_copy(xbuf.at[pl.ds(u * _D, _D)], outX_hbm.at[0],
                            semXW).wait()

    @pl.loop(0, 162, step=6)
    def _hex(t):
      _process(t, 0)
      _fetch(t + 6, 0)
      _drain(t, 0)
      _process(t + 2, 1)
      _fetch(t + 8, 1)
      _drain(t + 2, 1)
      _process(t + 4, 2)
      _fetch(t + 10, 2)
      _drain(t + 4, 2)

  return k(A, X, idx_pad, val_pad)


def kernel(A, X, W, b):
  scores = X @ W + b
  scores = jnp.squeeze(scores)
  scores = jax.nn.sigmoid(scores / 100.0)
  values, idx = jax.lax.top_k(scores, _K)
  new_A, new_X = _sc_gather(A, X, idx, values)
  return (new_A, new_X, idx)

# --- scband reference (transcript-rebuilt; emitter-appended) ---
"""Pipeline reference for scband-graph-pool-45045617001171 (READ-ONLY COPY).

The authoritative reference and input builder live on the scoring server;
editing this copy changes nothing except your own understanding.
"""

import jax, jax.numpy as jnp
import numpy as np

N = 10000
D = 128
K = 5000

def setup_inputs(seed: int = 0) -> dict:
    key = jax.random.key(seed)
    k1, k2, k3, k4 = jax.random.split(key, 4)
    A = jax.random.normal(k1, (N, N), dtype=jnp.float32)
    X = jax.random.normal(k2, (N, D), dtype=jnp.float32)
    # nn.Linear(in_dim, 1) parameters: weight [1, D] stored transposed as [D, 1], bias [1]
    W = jax.random.normal(k3, (D, 1), dtype=jnp.float32) * (1.0 / np.sqrt(D))
    b = jax.random.normal(k4, (1,), dtype=jnp.float32) * 0.01
    return {"A": A, "X": X, "W": W, "b": b}

def reference(A, X, W, b):
    # scores = self.proj(X)  -> [N, 1]
    scores = X @ W + b
    # torch.squeeze
    scores = jnp.squeeze(scores)
    # sigmoid(scores / 100)
    scores = jax.nn.sigmoid(scores / 100.0)
    # k (=5000) <= num_nodes (=10000): else-branch of the torch module
    values, idx = jax.lax.top_k(scores, K)
    new_X = X[idx, :]
    new_X = new_X * values[:, None]
    A_rows = A[idx, :]
    new_A = A_rows[:, idx]
    return (new_A, new_X, idx)

if __name__ == "__main__":
    import jax
    _d = setup_inputs()
    print(jax.jit(kernel)(*tuple(_d.values())))

</pallas_src>

<mosaic_0001>
#map = affine_map<(d0, d1) -> (0, 0)>
#map1 = affine_map<(d0, d1) -> (0)>
module attributes {stable_mosaic.version = 14 : i64} {
  func.func @k(%arg0: i32, %arg1: i32, %arg2: memref<10000x10000xf32, #tpu.memory_space<hbm>>, %arg3: memref<10000x128xf32, #tpu.memory_space<hbm>>, %arg4: memref<5000xi32, #tpu.memory_space<hbm>>, %arg5: memref<5000xf32, #tpu.memory_space<hbm>>, %arg6: memref<5000x5000xf32, #tpu.memory_space<hbm>>, %arg7: memref<5000x128xf32, #tpu.memory_space<hbm>>, %arg8: memref<5000xi32, #tpu.memory_space<vmem>>, %arg9: memref<10000xf32, #tpu.memory_space<vmem>>, %arg10: memref<10000xf32, #tpu.memory_space<vmem>>, %arg11: memref<10000xf32, #tpu.memory_space<vmem>>, %arg12: memref<10000xf32, #tpu.memory_space<vmem>>, %arg13: memref<10000xf32, #tpu.memory_space<vmem>>, %arg14: memref<10000xf32, #tpu.memory_space<vmem>>, %arg15: memref<5000xf32, #tpu.memory_space<vmem>>, %arg16: memref<5000xf32, #tpu.memory_space<vmem>>, %arg17: memref<5000xf32, #tpu.memory_space<vmem>>, %arg18: memref<5000xf32, #tpu.memory_space<vmem>>, %arg19: memref<5000xf32, #tpu.memory_space<vmem>>, %arg20: memref<5000xf32, #tpu.memory_space<vmem>>, %arg21: memref<20480xf32, #tpu.memory_space<vmem>>, %arg22: memref<5000xf32, #tpu.memory_space<vmem>>, %arg23: memref<!tpu.dma_semaphore, #tpu.memory_space<semaphore_mem>>, %arg24: memref<!tpu.dma_semaphore, #tpu.memory_space<semaphore_mem>>, %arg25: memref<!tpu.dma_semaphore, #tpu.memory_space<semaphore_mem>>, %arg26: memref<!tpu.dma_semaphore, #tpu.memory_space<semaphore_mem>>, %arg27: memref<!tpu.dma_semaphore, #tpu.memory_space<semaphore_mem>>, %arg28: memref<!tpu.dma_semaphore, #tpu.memory_space<semaphore_mem>>, %arg29: memref<!tpu.dma_semaphore, #tpu.memory_space<semaphore_mem>>, %arg30: memref<!tpu.dma_semaphore, #tpu.memory_space<semaphore_mem>>) attributes {dimension_semantics = [#tpu.dimension_semantics<core_parallel>, #tpu.dimension_semantics<subcore_parallel>], iteration_bounds = array<i64: 2, 16>, scalar_prefetch = 0 : i64, scratch_operands = 23 : i64, tpu.core_type = #tpu.core_type<sc_vector_subcore>, window_params = [{transform_indices = #map}, {transform_indices = #map}, {transform_indices = #map1}, {transform_indices = #map1}, {transform_indices = #map}, {transform_indices = #map}]} {
    %mul3A = arith.constant 2 : i32
    %mul3A_0 = arith.muli %arg1, %mul3A : i32
    %add3A = arith.addi %mul3A_0, %arg0 : i32
    %mul3A_1 = arith.constant 156 : i32
    %mul3A_2 = arith.muli %mul3A_1, %add3A : i32
    %min3A = arith.constant 4 : i32
    %min3A_3 = arith.minsi %add3A, %min3A : i32
    %mul3A_4 = arith.constant 2 : i32
    %mul3A_5 = arith.muli %mul3A_4, %min3A_3 : i32
    %add3A_6 = arith.addi %mul3A_2, %mul3A_5 : i32
    %lt3A = arith.constant 4 : i32
    %lt3A_7 = arith.cmpi slt, %add3A, %lt3A : i32
    %jit3A = arith.constant 158 : i32
    %jit3A_8 = arith.constant 156 : i32
    %select_n3A = arith.select %lt3A_7, %jit3A, %jit3A_8 : i32
    "tpu.region"() ({
      %run_scoped3A = tpu.sem_alloc : memref<!tpu.dma_semaphore, #tpu.memory_space<semaphore_mem>>
      tpu.enqueue_dma source(%arg4 : memref<5000xi32, #tpu.memory_space<hbm>>) target(%arg8 : memref<5000xi32, #tpu.memory_space<vmem>>) target_semaphore(%run_scoped3A : memref<!tpu.dma_semaphore, #tpu.memory_space<semaphore_mem>>)
      tpu.wait_dma2 semaphore(%run_scoped3A : memref<!tpu.dma_semaphore, #tpu.memory_space<semaphore_mem>>) src(%arg4 : memref<5000xi32, #tpu.memory_space<hbm>>) dst(%arg8 : memref<5000xi32, #tpu.memory_space<vmem>>)
      tpu.yield
    }) : () -> ()
    "tpu.region"() ({
      %run_scoped3A = tpu.sem_alloc : memref<!tpu.dma_semaphore, #tpu.memory_space<semaphore_mem>>
      tpu.enqueue_dma source(%arg5 : memref<5000xf32, #tpu.memory_space<hbm>>) target(%arg22 : memref<5000xf32, #tpu.memory_space<vmem>>) target_semaphore(%run_scoped3A : memref<!tpu.dma_semaphore, #tpu.memory_space<semaphore_mem>>)
      tpu.wait_dma2 semaphore(%run_scoped3A : memref<!tpu.dma_semaphore, #tpu.memory_space<semaphore_mem>>) src(%arg5 : memref<5000xf32, #tpu.memory_space<hbm>>) dst(%arg22 : memref<5000xf32, #tpu.memory_space<vmem>>)
      tpu.yield
    }) : () -> ()
    %iota3A = tpu.iota {dimensions = array<i32: 0>} : vector<16xi32>
    %lt3A_9 = arith.constant 8 : i32
    %lt3A_10 = vector.broadcast %lt3A_9 : i32 to vector<16xi32>
    %lt3A_11 = arith.cmpi slt, %iota3A, %lt3A_10 : vector<16xi32>
    %gt3A = arith.constant 0 : i32
    %gt3A_12 = arith.cmpi sgt, %select_n3A, %gt3A : i32
    %convert_element_type3A = arith.extui %gt3A_12 : i1 to i32
    %cond3A = arith.constant 0 : i32
    %cond3A_13 = arith.cmpi ne, %convert_element_type3A, %cond3A : i32
    scf.if %cond3A_13 {
      %add3A_38 = arith.constant 0 : i32
      %add3A_39 = arith.addi %add3A_6, %add3A_38 : i32
      %broadcast_in_dim3A = vector.broadcast %add3A_39 : i32 to vector<16xi32>
      %gather3A = tpu.vector_load_idx %arg8[%broadcast_in_dim3A] : memref<5000xi32, #tpu.memory_space<vmem>>[vector<16xi32>], vector<16xi32>,
      %reduce_max3A = arith.constant true
      %reduce_max3A_40 = vector.broadcast %reduce_max3A : i1 to vector<16xi1>
      %reduce_max3A_41 = arith.constant -2147483648 : i32
      %reduce_max3A_42 = vector.broadcast %reduce_max3A_41 : i32 to vector<16xi32>
      %reduce_max3A_43 = arith.xori %gather3A, %reduce_max3A_42 : vector<16xi32>
      %reduce_max3A_44 = tpu.scan <max>, %reduce_max3A_43 masked %reduce_max3A_40 : vector<16xi32>, vector<16xi1> -> vector<16xi32>
      %reduce_max3A_45 = arith.xori %reduce_max3A_44, %reduce_max3A_42 : vector<16xi32>
      %reduce_max3A_46 = vector.extract %reduce_max3A_45[15] : i32 from vector<16xi32>
      %dma_start3A = arith.constant 0 : i32
      %dma_start3A_47 = tpu.memref_slice %arg2[%reduce_max3A_46, %dma_start3A] : memref<10000x10000xf32, #tpu.memory_space<hbm>> -> memref<1x10000xf32, #tpu.memory_space<hbm>>
      %dma_start3A_48 = tpu.memref_squeeze %dma_start3A_47 : memref<1x10000xf32, #tpu.memory_space<hbm>> -> memref<10000xf32, #tpu.memory_space<hbm>>
      %dma_start3A_49 = arith.constant 0 : i32
      %dma_start3A_50 = tpu.memref_slice %arg2[%reduce_max3A_46, %dma_start3A_49] : memref<10000x10000xf32, #tpu.memory_space<hbm>> -> memref<1x10000xf32, #tpu.memory_space<hbm>>
      %dma_start3A_51 = tpu.memref_squeeze %dma_start3A_50 : memref<1x10000xf32, #tpu.memory_space<hbm>> -> memref<10000xf32, #tpu.memory_space<hbm>>
      tpu.enqueue_dma source(%dma_start3A_51 : memref<10000xf32, #tpu.memory_space<hbm>>) target(%arg9 : memref<10000xf32, #tpu.memory_space<vmem>>) target_semaphore(%arg23 : memref<!tpu.dma_semaphore, #tpu.memory_space<semaphore_mem>>)
      %add3A_52 = arith.constant 1 : i32
      %add3A_53 = arith.addi %add3A_6, %add3A_52 : i32
      %broadcast_in_dim3A_54 = vector.broadcast %add3A_53 : i32 to vector<16xi32>
      %gather3A_55 = tpu.vector_load_idx %arg8[%broadcast_in_dim3A_54] : memref<5000xi32, #tpu.memory_space<vmem>>[vector<16xi32>], vector<16xi32>,
      %reduce_max3A_56 = arith.constant true
      %reduce_max3A_57 = vector.broadcast %reduce_max3A_56 : i1 to vector<16xi1>
      %reduce_max3A_58 = arith.constant -2147483648 : i32
      %reduce_max3A_59 = vector.broadcast %reduce_max3A_58 : i32 to vector<16xi32>
      %reduce_max3A_60 = arith.xori %gather3A_55, %reduce_max3A_59 : vector<16xi32>
      %reduce_max3A_61 = tpu.scan <max>, %reduce_max3A_60 masked %reduce_max3A_57 : vector<16xi32>, vector<16xi1> -> vector<16xi32>
      %reduce_max3A_62 = arith.xori %reduce_max3A_61, %reduce_max3A_59 : vector<16xi32>
      %reduce_max3A_63 = vector.extract %reduce_max3A_62[15] : i32 from vector<16xi32>
      %dma_start3A_64 = arith.constant 0 : i32
      %dma_start3A_65 = tpu.memref_slice %arg2[%reduce_max3A_63, %dma_start3A_64] : memref<10000x10000xf32, #tpu.memory_space<hbm>> -> memref<1x10000xf32, #tpu.memory_space<hbm>>
      %dma_start3A_66 = tpu.memref_squeeze %dma_start3A_65 : memref<1x10000xf32, #tpu.memory_space<hbm>> -> memref<10000xf32, #tpu.memory_space<hbm>>
      %dma_start3A_67 = arith.constant 0 : i32
      %dma_start3A_68 = tpu.memref_slice %arg2[%reduce_max3A_63, %dma_start3A_67] : memref<10000x10000xf32, #tpu.memory_space<hbm>> -> memref<1x10000xf32, #tpu.memory_space<hbm>>
      %dma_start3A_69 = tpu.memref_squeeze %dma_start3A_68 : memref<1x10000xf32, #tpu.memory_space<hbm>> -> memref<10000xf32, #tpu.memory_space<hbm>>
      tpu.enqueue_dma source(%dma_start3A_69 : memref<10000xf32, #tpu.memory_space<hbm>>) target(%arg10 : memref<10000xf32, #tpu.memory_space<vmem>>) target_semaphore(%arg23 : memref<!tpu.dma_semaphore, #tpu.memory_space<semaphore_mem>>)
    } else {
    }
    %gt3A_14 = arith.constant 2 : i32
    %gt3A_15 = arith.cmpi sgt, %select_n3A, %gt3A_14 : i32
    %convert_element_type3A_16 = arith.extui %gt3A_15 : i1 to i32
    %cond3A_17 = arith.constant 0 : i32
    %cond3A_18 = arith.cmpi ne, %convert_element_type3A_16, %cond3A_17 : i32
    scf.if %cond3A_18 {
      %add3A_38 = arith.constant 2 : i32
      %add3A_39 = arith.addi %add3A_6, %add3A_38 : i32
      %broadcast_in_dim3A = vector.broadcast %add3A_39 : i32 to vector<16xi32>
      %gather3A = tpu.vector_load_idx %arg8[%broadcast_in_dim3A] : memref<5000xi32, #tpu.memory_space<vmem>>[vector<16xi32>], vector<16xi32>,
      %reduce_max3A = arith.constant true
      %reduce_max3A_40 = vector.broadcast %reduce_max3A : i1 to vector<16xi1>
      %reduce_max3A_41 = arith.constant -2147483648 : i32
      %reduce_max3A_42 = vector.broadcast %reduce_max3A_41 : i32 to vector<16xi32>
      %reduce_max3A_43 = arith.xori %gather3A, %reduce_max3A_42 : vector<16xi32>
      %reduce_max3A_44 = tpu.scan <max>, %reduce_max3A_43 masked %reduce_max3A_40 : vector<16xi32>, vector<16xi1> -> vector<16xi32>
      %reduce_max3A_45 = arith.xori %reduce_max3A_44, %reduce_max3A_42 : vector<16xi32>
      %reduce_max3A_46 = vector.extract %reduce_max3A_45[15] : i32 from vector<16xi32>
      %dma_start3A = arith.constant 0 : i32
      %dma_start3A_47 = tpu.memref_slice %arg2[%reduce_max3A_46, %dma_start3A] : memref<10000x10000xf32, #tpu.memory_space<hbm>> -> memref<1x10000xf32, #tpu.memory_space<hbm>>
      %dma_start3A_48 = tpu.memref_squeeze %dma_start3A_47 : memref<1x10000xf32, #tpu.memory_space<hbm>> -> memref<10000xf32, #tpu.memory_space<hbm>>
      %dma_start3A_49 = arith.constant 0 : i32
      %dma_start3A_50 = tpu.memref_slice %arg2[%reduce_max3A_46, %dma_start3A_49] : memref<10000x10000xf32, #tpu.memory_space<hbm>> -> memref<1x10000xf32, #tpu.memory_space<hbm>>
      %dma_start3A_51 = tpu.memref_squeeze %dma_start3A_50 : memref<1x10000xf32, #tpu.memory_space<hbm>> -> memref<10000xf32, #tpu.memory_space<hbm>>
      tpu.enqueue_dma source(%dma_start3A_51 : memref<10000xf32, #tpu.memory_space<hbm>>) target(%arg11 : memref<10000xf32, #tpu.memory_space<vmem>>) target_semaphore(%arg24 : memref<!tpu.dma_semaphore, #tpu.memory_space<semaphore_mem>>)
      %add3A_52 = arith.constant 3 : i32
      %add3A_53 = arith.addi %add3A_6, %add3A_52 : i32
      %broadcast_in_dim3A_54 = vector.broadcast %add3A_53 : i32 to vector<16xi32>
      %gather3A_55 = tpu.vector_load_idx %arg8[%broadcast_in_dim3A_54] : memref<5000xi32, #tpu.memory_space<vmem>>[vector<16xi32>], vector<16xi32>,
      %reduce_max3A_56 = arith.constant true
      %reduce_max3A_57 = vector.broadcast %reduce_max3A_56 : i1 to vector<16xi1>
      %reduce_max3A_58 = arith.constant -2147483648 : i32
      %reduce_max3A_59 = vector.broadcast %reduce_max3A_58 : i32 to vector<16xi32>
      %reduce_max3A_60 = arith.xori %gather3A_55, %reduce_max3A_59 : vector<16xi32>
      %reduce_max3A_61 = tpu.scan <max>, %reduce_max3A_60 masked %reduce_max3A_57 : vector<16xi32>, vector<16xi1> -> vector<16xi32>
      %reduce_max3A_62 = arith.xori %reduce_max3A_61, %reduce_max3A_59 : vector<16xi32>
      %reduce_max3A_63 = vector.extract %reduce_max3A_62[15] : i32 from vector<16xi32>
      %dma_start3A_64 = arith.constant 0 : i32
      %dma_start3A_65 = tpu.memref_slice %arg2[%reduce_max3A_63, %dma_start3A_64] : memref<10000x10000xf32, #tpu.memory_space<hbm>> -> memref<1x10000xf32, #tpu.memory_space<hbm>>
      %dma_start3A_66 = tpu.memref_squeeze %dma_start3A_65 : memref<1x10000xf32, #tpu.memory_space<hbm>> -> memref<10000xf32, #tpu.memory_space<hbm>>
      %dma_start3A_67 = arith.constant 0 : i32
      %dma_start3A_68 = tpu.memref_slice %arg2[%reduce_max3A_63, %dma_start3A_67] : memref<10000x10000xf32, #tpu.memory_space<hbm>> -> memref<1x10000xf32, #tpu.memory_space<hbm>>
      %dma_start3A_69 = tpu.memref_squeeze %dma_start3A_68 : memref<1x10000xf32, #tpu.memory_space<hbm>> -> memref<10000xf32, #tpu.memory_space<hbm>>
      tpu.enqueue_dma source(%dma_start3A_69 : memref<10000xf32, #tpu.memory_space<hbm>>) target(%arg12 : memref<10000xf32, #tpu.memory_space<vmem>>) target_semaphore(%arg24 : memref<!tpu.dma_semaphore, #tpu.memory_space<semaphore_mem>>)
    } else {
    }
    %gt3A_19 = arith.constant 4 : i32
    %gt3A_20 = arith.cmpi sgt, %select_n3A, %gt3A_19 : i32
    %convert_element_type3A_21 = arith.extui %gt3A_20 : i1 to i32
    %cond3A_22 = arith.constant 0 : i32
    %cond3A_23 = arith.cmpi ne, %convert_element_type3A_21, %cond3A_22 : i32
    scf.if %cond3A_23 {
      %add3A_38 = arith.constant 4 : i32
      %add3A_39 = arith.addi %add3A_6, %add3A_38 : i32
      %broadcast_in_dim3A = vector.broadcast %add3A_39 : i32 to vector<16xi32>
      %gather3A = tpu.vector_load_idx %arg8[%broadcast_in_dim3A] : memref<5000xi32, #tpu.memory_space<vmem>>[vector<16xi32>], vector<16xi32>,
      %reduce_max3A = arith.constant true
      %reduce_max3A_40 = vector.broadcast %reduce_max3A : i1 to vector<16xi1>
      %reduce_max3A_41 = arith.constant -2147483648 : i32
      %reduce_max3A_42 = vector.broadcast %reduce_max3A_41 : i32 to vector<16xi32>
      %reduce_max3A_43 = arith.xori %gather3A, %reduce_max3A_42 : vector<16xi32>
      %reduce_max3A_44 = tpu.scan <max>, %reduce_max3A_43 masked %reduce_max3A_40 : vector<16xi32>, vector<16xi1> -> vector<16xi32>
      %reduce_max3A_45 = arith.xori %reduce_max3A_44, %reduce_max3A_42 : vector<16xi32>
      %reduce_max3A_46 = vector.extract %reduce_max3A_45[15] : i32 from vector<16xi32>
      %dma_start3A = arith.constant 0 : i32
      %dma_start3A_47 = tpu.memref_slice %arg2[%reduce_max3A_46, %dma_start3A] : memref<10000x10000xf32, #tpu.memory_space<hbm>> -> memref<1x10000xf32, #tpu.memory_space<hbm>>
      %dma_start3A_48 = tpu.memref_squeeze %dma_start3A_47 : memref<1x10000xf32, #tpu.memory_space<hbm>> -> memref<10000xf32, #tpu.memory_space<hbm>>
      %dma_start3A_49 = arith.constant 0 : i32
      %dma_start3A_50 = tpu.memref_slice %arg2[%reduce_max3A_46, %dma_start3A_49] : memref<10000x10000xf32, #tpu.memory_space<hbm>> -> memref<1x10000xf32, #tpu.memory_space<hbm>>
      %dma_start3A_51 = tpu.memref_squeeze %dma_start3A_50 : memref<1x10000xf32, #tpu.memory_space<hbm>> -> memref<10000xf32, #tpu.memory_space<hbm>>
      tpu.enqueue_dma source(%dma_start3A_51 : memref<10000xf32, #tpu.memory_space<hbm>>) target(%arg13 : memref<10000xf32, #tpu.memory_space<vmem>>) target_semaphore(%arg25 : memref<!tpu.dma_semaphore, #tpu.memory_space<semaphore_mem>>)
      %add3A_52 = arith.constant 5 : i32
      %add3A_53 = arith.addi %add3A_6, %add3A_52 : i32
      %broadcast_in_dim3A_54 = vector.broadcast %add3A_53 : i32 to vector<16xi32>
      %gather3A_55 = tpu.vector_load_idx %arg8[%broadcast_in_dim3A_54] : memref<5000xi32, #tpu.memory_space<vmem>>[vector<16xi32>], vector<16xi32>,
      %reduce_max3A_56 = arith.constant true
      %reduce_max3A_57 = vector.broadcast %reduce_max3A_56 : i1 to vector<16xi1>
      %reduce_max3A_58 = arith.constant -2147483648 : i32
      %reduce_max3A_59 = vector.broadcast %reduce_max3A_58 : i32 to vector<16xi32>
      %reduce_max3A_60 = arith.xori %gather3A_55, %reduce_max3A_59 : vector<16xi32>
      %reduce_max3A_61 = tpu.scan <max>, %reduce_max3A_60 masked %reduce_max3A_57 : vector<16xi32>, vector<16xi1> -> vector<16xi32>
      %reduce_max3A_62 = arith.xori %reduce_max3A_61, %reduce_max3A_59 : vector<16xi32>
      %reduce_max3A_63 = vector.extract %reduce_max3A_62[15] : i32 from vector<16xi32>
      %dma_start3A_64 = arith.constant 0 : i32
      %dma_start3A_65 = tpu.memref_slice %arg2[%reduce_max3A_63, %dma_start3A_64] : memref<10000x10000xf32, #tpu.memory_space<hbm>> -> memref<1x10000xf32, #tpu.memory_space<hbm>>
      %dma_start3A_66 = tpu.memref_squeeze %dma_start3A_65 : memref<1x10000xf32, #tpu.memory_space<hbm>> -> memref<10000xf32, #tpu.memory_space<hbm>>
      %dma_start3A_67 = arith.constant 0 : i32
      %dma_start3A_68 = tpu.memref_slice %arg2[%reduce_max3A_63, %dma_start3A_67] : memref<10000x10000xf32, #tpu.memory_space<hbm>> -> memref<1x10000xf32, #tpu.memory_space<hbm>>
      %dma_start3A_69 = tpu.memref_squeeze %dma_start3A_68 : memref<1x10000xf32, #tpu.memory_space<hbm>> -> memref<10000xf32, #tpu.memory_space<hbm>>
      tpu.enqueue_dma source(%dma_start3A_69 : memref<10000xf32, #tpu.memory_space<hbm>>) target(%arg14 : memref<10000xf32, #tpu.memory_space<vmem>>) target_semaphore(%arg25 : memref<!tpu.dma_semaphore, #tpu.memory_space<semaphore_mem>>)
    } else {
    }
    %scan3A = arith.constant 0 : i32
    %scan3A_24 = arith.constant 20 : i32
    %scan3A_25 = arith.addi %scan3A, %scan3A_24 : i32
    %scan3A_26 = arith.constant 1 : i32
    scf.for %scan3A_38 = %scan3A to %scan3A_25 step %scan3A_26  : i32 {
      %mul3A_39 = arith.constant 8 : i32
      %mul3A_40 = arith.muli %scan3A_38, %mul3A_39 : i32
      %add3A_41 = arith.constant 0 : i32
      %add3A_42 = arith.addi %add3A_41, %mul3A_40 : i32
      %parallel_loop3A = arith.constant 0 : i32
      %parallel_loop3A_43 = arith.constant 8 : i32
      %parallel_loop3A_44 = arith.constant 1 : i32
      scf.for %parallel_loop3A_60 = %parallel_loop3A to %parallel_loop3A_43 step %parallel_loop3A_44  : i32 {
        %parallel_loop3A_61 = arith.addi %add3A_6, %add3A_42 : i32
        %parallel_loop3A_62 = arith.addi %parallel_loop3A_61, %parallel_loop3A_60 : i32
        %parallel_loop3A_63 = arith.constant 4999 : i32
        %parallel_loop3A_64 = arith.minsi %parallel_loop3A_62, %parallel_loop3A_63 : i32
        %parallel_loop3A_65 = vector.broadcast %parallel_loop3A_64 : i32 to vector<16xi32>
        %parallel_loop3A_66 = tpu.vector_load_idx %arg8[%parallel_loop3A_65] : memref<5000xi32, #tpu.memory_space<vmem>>[vector<16xi32>], vector<16xi32>,
        %parallel_loop3A_67 = arith.constant true
        %parallel_loop3A_68 = vector.broadcast %parallel_loop3A_67 : i1 to vector<16xi1>
        %parallel_loop3A_69 = arith.constant -2147483648 : i32
        %parallel_loop3A_70 = vector.broadcast %parallel_loop3A_69 : i32 to vector<16xi32>
        %parallel_loop3A_71 = arith.xori %parallel_loop3A_66, %parallel_loop3A_70 : vector<16xi32>
        %parallel_loop3A_72 = tpu.scan <max>, %parallel_loop3A_71 masked %parallel_loop3A_68 : vector<16xi32>, vector<16xi1> -> vector<16xi32>
        %parallel_loop3A_73 = arith.xori %parallel_loop3A_72, %parallel_loop3A_70 : vector<16xi32>
        %parallel_loop3A_74 = vector.extract %parallel_loop3A_73[15] : i32 from vector<16xi32>
        %parallel_loop3A_75 = arith.addi %add3A_42, %parallel_loop3A_60 : i32
        %parallel_loop3A_76 = arith.constant 128 : i32
        %parallel_loop3A_77 = arith.muli %parallel_loop3A_75, %parallel_loop3A_76 : i32
        %parallel_loop3A_78 = tpu.memref_slice %arg21[%parallel_loop3A_77] : memref<20480xf32, #tpu.memory_space<vmem>> -> memref<128xf32, #tpu.memory_space<vmem>>
        %parallel_loop3A_79 = arith.constant 0 : i32
        %parallel_loop3A_80 = tpu.memref_slice %arg3[%parallel_loop3A_74, %parallel_loop3A_79] : memref<10000x128xf32, #tpu.memory_space<hbm>> -> memref<1x128xf32, #tpu.memory_space<hbm>>
        %parallel_loop3A_81 = tpu.memref_squeeze %parallel_loop3A_80 : memref<1x128xf32, #tpu.memory_space<hbm>> -> memref<128xf32, #tpu.memory_space<hbm>>
        %parallel_loop3A_82 = tpu.memref_slice %arg21[%parallel_loop3A_77] : memref<20480xf32, #tpu.memory_space<vmem>> -> memref<128xf32, #tpu.memory_space<vmem>>
        %parallel_loop3A_83 = arith.constant 0 : i32
        %parallel_loop3A_84 = tpu.memref_slice %arg3[%parallel_loop3A_74, %parallel_loop3A_83] : memref<10000x128xf32, #tpu.memory_space<hbm>> -> memref<1x128xf32, #tpu.memory_space<hbm>>
        %parallel_loop3A_85 = tpu.memref_squeeze %parallel_loop3A_84 : memref<1x128xf32, #tpu.memory_space<hbm>> -> memref<128xf32, #tpu.memory_space<hbm>>
        tpu.enqueue_dma source(%parallel_loop3A_85 : memref<128xf32, #tpu.memory_space<hbm>>) target(%parallel_loop3A_82 : memref<128xf32, #tpu.memory_space<vmem>>) target_semaphore(%arg29 : memref<!tpu.dma_semaphore, #tpu.memory_space<semaphore_mem>>)
      } {sc.loop_unroll_factor = 1 : i64, sc.parallel_access}
      %scan3A_45 = arith.constant 0 : i32
      %scan3A_46 = arith.constant 8 : i32
      %scan3A_47 = arith.addi %scan3A_45, %scan3A_46 : i32
      %scan3A_48 = arith.constant 1 : i32
      scf.for %scan3A_60 = %scan3A_45 to %scan3A_47 step %scan3A_48  : i32 {
        %mul3A_61 = arith.constant 1 : i32
        %mul3A_62 = arith.muli %scan3A_60, %mul3A_61 : i32
        %add3A_63 = arith.constant 0 : i32
        %add3A_64 = arith.addi %add3A_63, %mul3A_62 : i32
        %add3A_65 = arith.addi %add3A_6, %add3A_42 : i32
        %add3A_66 = arith.addi %add3A_65, %add3A_64 : i32
        %min3A_67 = arith.constant 4999 : i32
        %min3A_68 = arith.minsi %add3A_66, %min3A_67 : i32
        %add3A_69 = arith.addi %add3A_42, %add3A_64 : i32
        %mul3A_70 = arith.constant 128 : i32
        %mul3A_71 = arith.muli %add3A_69, %mul3A_70 : i32
        %dma_wait3A = arith.constant 0 : i32
        %dma_wait3A_72 = tpu.memref_slice %arg21[%mul3A_71] : memref<20480xf32, #tpu.memory_space<vmem>> -> memref<128xf32, #tpu.memory_space<vmem>>
        %dma_wait3A_73 = arith.constant 0 : i32
        %dma_wait3A_74 = tpu.memref_slice %arg3[%dma_wait3A, %dma_wait3A_73] : memref<10000x128xf32, #tpu.memory_space<hbm>> -> memref<1x128xf32, #tpu.memory_space<hbm>>
        %dma_wait3A_75 = tpu.memref_squeeze %dma_wait3A_74 : memref<1x128xf32, #tpu.memory_space<hbm>> -> memref<128xf32, #tpu.memory_space<hbm>>
        %dma_wait3A_76 = tpu.memref_slice %arg21[%mul3A_71] : memref<20480xf32, #tpu.memory_space<vmem>> -> memref<128xf32, #tpu.memory_space<vmem>>
        %dma_wait3A_77 = arith.constant 0 : i32
        %dma_wait3A_78 = tpu.memref_slice %arg3[%dma_wait3A, %dma_wait3A_77] : memref<10000x128xf32, #tpu.memory_space<hbm>> -> memref<1x128xf32, #tpu.memory_space<hbm>>
        %dma_wait3A_79 = tpu.memref_squeeze %dma_wait3A_78 : memref<1x128xf32, #tpu.memory_space<hbm>> -> memref<128xf32, #tpu.memory_space<hbm>>
        tpu.wait_dma2 semaphore(%arg29 : memref<!tpu.dma_semaphore, #tpu.memory_space<semaphore_mem>>) src(%dma_wait3A_79 : memref<128xf32, #tpu.memory_space<hbm>>) dst(%dma_wait3A_76 : memref<128xf32, #tpu.memory_space<vmem>>)
        %broadcast_in_dim3A = vector.broadcast %min3A_68 : i32 to vector<16xi32>
        %gather3A = tpu.vector_load_idx %arg22[%broadcast_in_dim3A] : memref<5000xf32, #tpu.memory_space<vmem>>[vector<16xi32>], vector<16xf32>,
        %parallel_loop3A_80 = arith.constant 0 : i32
        %parallel_loop3A_81 = arith.constant 128 : i32
        %parallel_loop3A_82 = arith.constant 16 : i32
        scf.for %parallel_loop3A_83 = %parallel_loop3A_80 to %parallel_loop3A_81 step %parallel_loop3A_82  : i32 {
          %parallel_loop3A_84 = arith.addi %add3A_42, %add3A_64 : i32
          %parallel_loop3A_85 = arith.constant 128 : i32
          %parallel_loop3A_86 = arith.muli %parallel_loop3A_84, %parallel_loop3A_85 : i32
          %parallel_loop3A_87 = arith.addi %parallel_loop3A_86, %parallel_loop3A_83 : i32
          %parallel_loop3A_88 = arith.index_cast %parallel_loop3A_87 : i32 to index
          %parallel_loop3A_89 = tpu.vector_load %arg21[%parallel_loop3A_88] {strides = array<i32>} : memref<20480xf32, #tpu.memory_space<vmem>>, vector<16xf32>,
          %parallel_loop3A_90 = arith.mulf %parallel_loop3A_89, %gather3A : vector<16xf32>
          %parallel_loop3A_91 = arith.index_cast %parallel_loop3A_87 : i32 to index
          %parallel_loop3A_92 = tpu.vector_load %arg21[%parallel_loop3A_91] {strides = array<i32>} : memref<20480xf32, #tpu.memory_space<vmem>>, vector<16xf32>,
          tpu.vector_store %arg21[%parallel_loop3A_91], %parallel_loop3A_90 {strides = array<i32>} : memref<20480xf32, #tpu.memory_space<vmem>>, vector<16xf32>,
        } {sc.loop_unroll_factor = 8 : i64, sc.parallel_access}
      }
      %scan3A_49 = arith.constant 8 : i32
      %gt3A_50 = arith.constant 0 : i32
      %gt3A_51 = arith.cmpi sgt, %add3A_42, %gt3A_50 : i32
      %convert_element_type3A_52 = arith.extui %gt3A_51 : i1 to i32
      %cond3A_53 = arith.constant 0 : i32
      %cond3A_54 = arith.cmpi ne, %convert_element_type3A_52, %cond3A_53 : i32
      scf.if %cond3A_54 {
        %scan3A_60 = arith.constant 0 : i32
        %scan3A_61 = arith.constant 8 : i32
        %scan3A_62 = arith.addi %scan3A_60, %scan3A_61 : i32
        %scan3A_63 = arith.constant 1 : i32
        scf.for %scan3A_65 = %scan3A_60 to %scan3A_62 step %scan3A_63  : i32 {
          %mul3A_66 = arith.constant 1 : i32
          %mul3A_67 = arith.muli %scan3A_65, %mul3A_66 : i32
          %add3A_68 = arith.constant 0 : i32
          %add3A_69 = arith.addi %add3A_68, %mul3A_67 : i32
          %mul3A_70 = arith.constant 128 : i32
          %mul3A_71 = arith.muli %add3A_69, %mul3A_70 : i32
          %dma_wait3A = arith.constant 0 : i32
          %dma_wait3A_72 = tpu.memref_slice %arg21[%mul3A_71] : memref<20480xf32, #tpu.memory_space<vmem>> -> memref<128xf32, #tpu.memory_space<vmem>>
          %dma_wait3A_73 = arith.constant 0 : i32
          %dma_wait3A_74 = tpu.memref_slice %arg7[%dma_wait3A, %dma_wait3A_73] : memref<5000x128xf32, #tpu.memory_space<hbm>> -> memref<1x128xf32, #tpu.memory_space<hbm>>
          %dma_wait3A_75 = tpu.memref_squeeze %dma_wait3A_74 : memref<1x128xf32, #tpu.memory_space<hbm>> -> memref<128xf32, #tpu.memory_space<hbm>>
          %dma_wait3A_76 = arith.constant 0 : i32
          %dma_wait3A_77 = tpu.memref_slice %arg7[%dma_wait3A, %dma_wait3A_76] : memref<5000x128xf32, #tpu.memory_space<hbm>> -> memref<1x128xf32, #tpu.memory_space<hbm>>
          %dma_wait3A_78 = tpu.memref_squeeze %dma_wait3A_77 : memref<1x128xf32, #tpu.memory_space<hbm>> -> memref<128xf32, #tpu.memory_space<hbm>>
          %dma_wait3A_79 = tpu.memref_slice %arg21[%mul3A_71] : memref<20480xf32, #tpu.memory_space<vmem>> -> memref<128xf32, #tpu.memory_space<vmem>>
          tpu.wait_dma2 semaphore(%arg30 : memref<!tpu.dma_semaphore, #tpu.memory_space<semaphore_mem>>) src(%dma_wait3A_79 : memref<128xf32, #tpu.memory_space<vmem>>) dst(%dma_wait3A_78 : memref<128xf32, #tpu.memory_space<hbm>>)
        }
        %scan3A_64 = arith.constant 8 : i32
      } else {
      }
      %scan3A_55 = arith.constant 0 : i32
      %scan3A_56 = arith.constant 8 : i32
      %scan3A_57 = arith.addi %scan3A_55, %scan3A_56 : i32
      %scan3A_58 = arith.constant 1 : i32
      scf.for %scan3A_60 = %scan3A_55 to %scan3A_57 step %scan3A_58  : i32 {
        %mul3A_61 = arith.constant 1 : i32
        %mul3A_62 = arith.muli %scan3A_60, %mul3A_61 : i32
        %add3A_63 = arith.constant 0 : i32
        %add3A_64 = arith.addi %add3A_63, %mul3A_62 : i32
        %add3A_65 = arith.addi %add3A_6, %add3A_42 : i32
        %add3A_66 = arith.addi %add3A_65, %add3A_64 : i32
        %min3A_67 = arith.constant 4999 : i32
        %min3A_68 = arith.minsi %add3A_66, %min3A_67 : i32
        %add3A_69 = arith.addi %add3A_42, %add3A_64 : i32
        %mul3A_70 = arith.constant 128 : i32
        %mul3A_71 = arith.muli %add3A_69, %mul3A_70 : i32
        %dma_start3A = tpu.memref_slice %arg21[%mul3A_71] : memref<20480xf32, #tpu.memory_space<vmem>> -> memref<128xf32, #tpu.memory_space<vmem>>
        %dma_start3A_72 = arith.constant 0 : i32
        %dma_start3A_73 = tpu.memref_slice %arg7[%min3A_68, %dma_start3A_72] : memref<5000x128xf32, #tpu.memory_space<hbm>> -> memref<1x128xf32, #tpu.memory_space<hbm>>
        %dma_start3A_74 = tpu.memref_squeeze %dma_start3A_73 : memref<1x128xf32, #tpu.memory_space<hbm>> -> memref<128xf32, #tpu.memory_space<hbm>>
        %dma_start3A_75 = arith.constant 0 : i32
        %dma_start3A_76 = tpu.memref_slice %arg7[%min3A_68, %dma_start3A_75] : memref<5000x128xf32, #tpu.memory_space<hbm>> -> memref<1x128xf32, #tpu.memory_space<hbm>>
        %dma_start3A_77 = tpu.memref_squeeze %dma_start3A_76 : memref<1x128xf32, #tpu.memory_space<hbm>> -> memref<128xf32, #tpu.memory_space<hbm>>
        %dma_start3A_78 = tpu.memref_slice %arg21[%mul3A_71] : memref<20480xf32, #tpu.memory_space<vmem>> -> memref<128xf32, #tpu.memory_space<vmem>>
        tpu.enqueue_dma source(%dma_start3A_78 : memref<128xf32, #tpu.memory_space<vmem>>) target(%dma_start3A_77 : memref<128xf32, #tpu.memory_space<hbm>>) target_semaphore(%arg30 : memref<!tpu.dma_semaphore, #tpu.memory_space<semaphore_mem>>)
      }
      %scan3A_59 = arith.constant 8 : i32
    }
    %scan3A_27 = arith.constant 20 : i32
    %scan3A_28 = arith.constant 0 : i32
    %scan3A_29 = arith.constant 8 : i32
    %scan3A_30 = arith.addi %scan3A_28, %scan3A_29 : i32
    %scan3A_31 = arith.constant 1 : i32
    scf.for %scan3A_38 = %scan3A_28 to %scan3A_30 step %scan3A_31  : i32 {
      %mul3A_39 = arith.constant 1 : i32
      %mul3A_40 = arith.muli %scan3A_38, %mul3A_39 : i32
      %add3A_41 = arith.constant 0 : i32
      %add3A_42 = arith.addi %add3A_41, %mul3A_40 : i32
      %mul3A_43 = arith.constant 128 : i32
      %mul3A_44 = arith.muli %add3A_42, %mul3A_43 : i32
      %dma_wait3A = arith.constant 0 : i32
      %dma_wait3A_45 = tpu.memref_slice %arg21[%mul3A_44] : memref<20480xf32, #tpu.memory_space<vmem>> -> memref<128xf32, #tpu.memory_space<vmem>>
      %dma_wait3A_46 = arith.constant 0 : i32
      %dma_wait3A_47 = tpu.memref_slice %arg7[%dma_wait3A, %dma_wait3A_46] : memref<5000x128xf32, #tpu.memory_space<hbm>> -> memref<1x128xf32, #tpu.memory_space<hbm>>
      %dma_wait3A_48 = tpu.memref_squeeze %dma_wait3A_47 : memref<1x128xf32, #tpu.memory_space<hbm>> -> memref<128xf32, #tpu.memory_space<hbm>>
      %dma_wait3A_49 = arith.constant 0 : i32
      %dma_wait3A_50 = tpu.memref_slice %arg7[%dma_wait3A, %dma_wait3A_49] : memref<5000x128xf32, #tpu.memory_space<hbm>> -> memref<1x128xf32, #tpu.memory_space<hbm>>
      %dma_wait3A_51 = tpu.memref_squeeze %dma_wait3A_50 : memref<1x128xf32, #tpu.memory_space<hbm>> -> memref<128xf32, #tpu.memory_space<hbm>>
      %dma_wait3A_52 = tpu.memref_slice %arg21[%mul3A_44] : memref<20480xf32, #tpu.memory_space<vmem>> -> memref<128xf32, #tpu.memory_space<vmem>>
      tpu.wait_dma2 semaphore(%arg30 : memref<!tpu.dma_semaphore, #tpu.memory_space<semaphore_mem>>) src(%dma_wait3A_52 : memref<128xf32, #tpu.memory_space<vmem>>) dst(%dma_wait3A_51 : memref<128xf32, #tpu.memory_space<hbm>>)
    }
    %scan3A_32 = arith.constant 8 : i32
    %scan3A_33 = arith.constant 0 : i32
    %scan3A_34 = arith.constant 27 : i32
    %scan3A_35 = arith.addi %scan3A_33, %scan3A_34 : i32
    %scan3A_36 = arith.constant 1 : i32
    scf.for %scan3A_38 = %scan3A_33 to %scan3A_35 step %scan3A_36  : i32 {
      %mul3A_39 = arith.constant 6 : i32
      %mul3A_40 = arith.muli %scan3A_38, %mul3A_39 : i32
      %add3A_41 = arith.constant 0 : i32
      %add3A_42 = arith.addi %add3A_41, %mul3A_40 : i32
      %lt3A_43 = arith.cmpi slt, %add3A_42, %select_n3A : i32
      %convert_element_type3A_44 = arith.extui %lt3A_43 : i1 to i32
      %cond3A_45 = arith.constant 0 : i32
      %cond3A_46 = arith.cmpi ne, %convert_element_type3A_44, %cond3A_45 : i32
      scf.if %cond3A_46 {
        %dma_wait3A = arith.constant 0 : i32
        %dma_wait3A_93 = arith.constant 0 : i32
        %dma_wait3A_94 = tpu.memref_slice %arg2[%dma_wait3A, %dma_wait3A_93] : memref<10000x10000xf32, #tpu.memory_space<hbm>> -> memref<1x10000xf32, #tpu.memory_space<hbm>>
        %dma_wait3A_95 = tpu.memref_squeeze %dma_wait3A_94 : memref<1x10000xf32, #tpu.memory_space<hbm>> -> memref<10000xf32, #tpu.memory_space<hbm>>
        %dma_wait3A_96 = arith.constant 0 : i32
        %dma_wait3A_97 = tpu.memref_slice %arg2[%dma_wait3A, %dma_wait3A_96] : memref<10000x10000xf32, #tpu.memory_space<hbm>> -> memref<1x10000xf32, #tpu.memory_space<hbm>>
        %dma_wait3A_98 = tpu.memref_squeeze %dma_wait3A_97 : memref<1x10000xf32, #tpu.memory_space<hbm>> -> memref<10000xf32, #tpu.memory_space<hbm>>
        tpu.wait_dma2 semaphore(%arg23 : memref<!tpu.dma_semaphore, #tpu.memory_space<semaphore_mem>>) src(%dma_wait3A_98 : memref<10000xf32, #tpu.memory_space<hbm>>) dst(%arg9 : memref<10000xf32, #tpu.memory_space<vmem>>)
        %dma_wait3A_99 = arith.constant 0 : i32
        %dma_wait3A_100 = arith.constant 0 : i32
        %dma_wait3A_101 = tpu.memref_slice %arg2[%dma_wait3A_99, %dma_wait3A_100] : memref<10000x10000xf32, #tpu.memory_space<hbm>> -> memref<1x10000xf32, #tpu.memory_space<hbm>>
        %dma_wait3A_102 = tpu.memref_squeeze %dma_wait3A_101 : memref<1x10000xf32, #tpu.memory_space<hbm>> -> memref<10000xf32, #tpu.memory_space<hbm>>
        %dma_wait3A_103 = arith.constant 0 : i32
        %dma_wait3A_104 = tpu.memref_slice %arg2[%dma_wait3A_99, %dma_wait3A_103] : memref<10000x10000xf32, #tpu.memory_space<hbm>> -> memref<1x10000xf32, #tpu.memory_space<hbm>>
        %dma_wait3A_105 = tpu.memref_squeeze %dma_wait3A_104 : memref<1x10000xf32, #tpu.memory_space<hbm>> -> memref<10000xf32, #tpu.memory_space<hbm>>
        tpu.wait_dma2 semaphore(%arg23 : memref<!tpu.dma_semaphore, #tpu.memory_space<semaphore_mem>>) src(%dma_wait3A_105 : memref<10000xf32, #tpu.memory_space<hbm>>) dst(%arg10 : memref<10000xf32, #tpu.memory_space<vmem>>)
        %parallel_loop3A = arith.constant 0 : i32
        %parallel_loop3A_106 = arith.constant 4992 : i32
        %parallel_loop3A_107 = arith.constant 16 : i32
        scf.for %parallel_loop3A_136 = %parallel_loop3A to %parallel_loop3A_106 step %parallel_loop3A_107  : i32 {
          %parallel_loop3A_137 = arith.index_cast %parallel_loop3A_136 : i32 to index
          %parallel_loop3A_138 = tpu.vector_load %arg8[%parallel_loop3A_137] {strides = array<i32>} : memref<5000xi32, #tpu.memory_space<vmem>>, vector<16xi32>,
          %parallel_loop3A_139 = tpu.vector_load_idx %arg9[%parallel_loop3A_138] : memref<10000xf32, #tpu.memory_space<vmem>>[vector<16xi32>], vector<16xf32>,
          %parallel_loop3A_140 = arith.index_cast %parallel_loop3A_136 : i32 to index
          %parallel_loop3A_141 = tpu.vector_load %arg15[%parallel_loop3A_140] {strides = array<i32>} : memref<5000xf32, #tpu.memory_space<vmem>>, vector<16xf32>,
          tpu.vector_store %arg15[%parallel_loop3A_140], %parallel_loop3A_139 {strides = array<i32>} : memref<5000xf32, #tpu.memory_space<vmem>>, vector<16xf32>,
          %parallel_loop3A_142 = tpu.vector_load_idx %arg10[%parallel_loop3A_138] : memref<10000xf32, #tpu.memory_space<vmem>>[vector<16xi32>], vector<16xf32>,
          %parallel_loop3A_143 = arith.index_cast %parallel_loop3A_136 : i32 to index
          %parallel_loop3A_144 = tpu.vector_load %arg16[%parallel_loop3A_143] {strides = array<i32>} : memref<5000xf32, #tpu.memory_space<vmem>>, vector<16xf32>,
          tpu.vector_store %arg16[%parallel_loop3A_143], %parallel_loop3A_142 {strides = array<i32>} : memref<5000xf32, #tpu.memory_space<vmem>>, vector<16xf32>,
        } {sc.loop_unroll_factor = 8 : i64, sc.parallel_access}
        %add3A_108 = arith.constant 4992 : i32
        %add3A_109 = vector.broadcast %add3A_108 : i32 to vector<16xi32>
        %add3A_110 = arith.addi %iota3A, %add3A_109 : vector<16xi32>
        %min3A_111 = arith.constant 4999 : i32
        %min3A_112 = vector.broadcast %min3A_111 : i32 to vector<16xi32>
        %min3A_113 = arith.minsi %add3A_110, %min3A_112 : vector<16xi32>
        %gather3A = tpu.vector_load_idx %arg8[%min3A_113] : memref<5000xi32, #tpu.memory_space<vmem>>[vector<16xi32>], vector<16xi32>,
        %jit3A_114 = arith.constant 0 : i32
        %broadcast_in_dim3A = vector.broadcast %jit3A_114 : i32 to vector<16xi32>
        %select_n3A_115 = arith.select %lt3A_11, %gather3A, %broadcast_in_dim3A : vector<16xi1>, vector<16xi32>
        %add3A_116 = arith.constant 4992 : i32
        %add3A_117 = vector.broadcast %add3A_116 : i32 to vector<16xi32>
        %add3A_118 = arith.addi %iota3A, %add3A_117 : vector<16xi32>
        %gather3A_119 = tpu.vector_load_idx %arg9[%select_n3A_115] : memref<10000xf32, #tpu.memory_space<vmem>>[vector<16xi32>], vector<16xf32>,
        tpu.vector_store_idx %arg15[%add3A_118], %gather3A_119 masked %lt3A_11 : memref<5000xf32, #tpu.memory_space<vmem>>[vector<16xi32>], vector<16xf32>, vector<16xi1>
        %gather3A_120 = tpu.vector_load_idx %arg10[%select_n3A_115] : memref<10000xf32, #tpu.memory_space<vmem>>[vector<16xi32>], vector<16xf32>,
        tpu.vector_store_idx %arg16[%add3A_118], %gather3A_120 masked %lt3A_11 : memref<5000xf32, #tpu.memory_space<vmem>>[vector<16xi32>], vector<16xf32>, vector<16xi1>
        %add3A_121 = arith.addi %add3A_6, %add3A_42 : i32
        %dma_start3A = arith.constant 0 : i32
        %dma_start3A_122 = tpu.memref_slice %arg6[%add3A_121, %dma_start3A] : memref<5000x5000xf32, #tpu.memory_space<hbm>> -> memref<1x5000xf32, #tpu.memory_space<hbm>>
        %dma_start3A_123 = tpu.memref_squeeze %dma_start3A_122 : memref<1x5000xf32, #tpu.memory_space<hbm>> -> memref<5000xf32, #tpu.memory_space<hbm>>
        %dma_start3A_124 = arith.constant 0 : i32
        %dma_start3A_125 = tpu.memref_slice %arg6[%add3A_121, %dma_start3A_124] : memref<5000x5000xf32, #tpu.memory_space<hbm>> -> memref<1x5000xf32, #tpu.memory_space<hbm>>
        %dma_start3A_126 = tpu.memref_squeeze %dma_start3A_125 : memref<1x5000xf32, #tpu.memory_space<hbm>> -> memref<5000xf32, #tpu.memory_space<hbm>>
        tpu.enqueue_dma source(%arg15 : memref<5000xf32, #tpu.memory_space<vmem>>) target(%dma_start3A_126 : memref<5000xf32, #tpu.memory_space<hbm>>) target_semaphore(%arg26 : memref<!tpu.dma_semaphore, #tpu.memory_space<semaphore_mem>>)
        %add3A_127 = arith.addi %add3A_6, %add3A_42 : i32
        %add3A_128 = arith.constant 1 : i32
        %add3A_129 = arith.addi %add3A_127, %add3A_128 : i32
        %dma_start3A_130 = arith.constant 0 : i32
        %dma_start3A_131 = tpu.memref_slice %arg6[%add3A_129, %dma_start3A_130] : memref<5000x5000xf32, #tpu.memory_space<hbm>> -> memref<1x5000xf32, #tpu.memory_space<hbm>>
        %dma_start3A_132 = tpu.memref_squeeze %dma_start3A_131 : memref<1x5000xf32, #tpu.memory_space<hbm>> -> memref<5000xf32, #tpu.memory_space<hbm>>
        %dma_start3A_133 = arith.constant 0 : i32
        %dma_start3A_134 = tpu.memref_slice %arg6[%add3A_129, %dma_start3A_133] : memref<5000x5000xf32, #tpu.memory_space<hbm>> -> memref<1x5000xf32, #tpu.memory_space<hbm>>
        %dma_start3A_135 = tpu.memref_squeeze %dma_start3A_134 : memref<1x5000xf32, #tpu.memory_space<hbm>> -> memref<5000xf32, #tpu.memory_space<hbm>>
        tpu.enqueue_dma source(%arg16 : memref<5000xf32, #tpu.memory_space<vmem>>) target(%dma_start3A_135 : memref<5000xf32, #tpu.memory_space<hbm>>) target_semaphore(%arg26 : memref<!tpu.dma_semaphore, #tpu.memory_space<semaphore_mem>>)
      } else {
      }
      %add3A_47 = arith.constant 6 : i32
      %add3A_48 = arith.addi %add3A_42, %add3A_47 : i32
      %lt3A_49 = arith.cmpi slt, %add3A_48, %select_n3A : i32
      %convert_element_type3A_50 = arith.extui %lt3A_49 : i1 to i32
      %cond3A_51 = arith.constant 0 : i32
      %cond3A_52 = arith.cmpi ne, %convert_element_type3A_50, %cond3A_51 : i32
      scf.if %cond3A_52 {
        %add3A_93 = arith.addi %add3A_6, %add3A_48 : i32
        %broadcast_in_dim3A = vector.broadcast %add3A_93 : i32 to vector<16xi32>
        %gather3A = tpu.vector_load_idx %arg8[%broadcast_in_dim3A] : memref<5000xi32, #tpu.memory_space<vmem>>[vector<16xi32>], vector<16xi32>,
        %reduce_max3A = arith.constant true
        %reduce_max3A_94 = vector.broadcast %reduce_max3A : i1 to vector<16xi1>
        %reduce_max3A_95 = arith.constant -2147483648 : i32
        %reduce_max3A_96 = vector.broadcast %reduce_max3A_95 : i32 to vector<16xi32>
        %reduce_max3A_97 = arith.xori %gather3A, %reduce_max3A_96 : vector<16xi32>
        %reduce_max3A_98 = tpu.scan <max>, %reduce_max3A_97 masked %reduce_max3A_94 : vector<16xi32>, vector<16xi1> -> vector<16xi32>
        %reduce_max3A_99 = arith.xori %reduce_max3A_98, %reduce_max3A_96 : vector<16xi32>
        %reduce_max3A_100 = vector.extract %reduce_max3A_99[15] : i32 from vector<16xi32>
        %dma_start3A = arith.constant 0 : i32
        %dma_start3A_101 = tpu.memref_slice %arg2[%reduce_max3A_100, %dma_start3A] : memref<10000x10000xf32, #tpu.memory_space<hbm>> -> memref<1x10000xf32, #tpu.memory_space<hbm>>
        %dma_start3A_102 = tpu.memref_squeeze %dma_start3A_101 : memref<1x10000xf32, #tpu.memory_space<hbm>> -> memref<10000xf32, #tpu.memory_space<hbm>>
        %dma_start3A_103 = arith.constant 0 : i32
        %dma_start3A_104 = tpu.memref_slice %arg2[%reduce_max3A_100, %dma_start3A_103] : memref<10000x10000xf32, #tpu.memory_space<hbm>> -> memref<1x10000xf32, #tpu.memory_space<hbm>>
        %dma_start3A_105 = tpu.memref_squeeze %dma_start3A_104 : memref<1x10000xf32, #tpu.memory_space<hbm>> -> memref<10000xf32, #tpu.memory_space<hbm>>
        tpu.enqueue_dma source(%dma_start3A_105 : memref<10000xf32, #tpu.memory_space<hbm>>) target(%arg9 : memref<10000xf32, #tpu.memory_space<vmem>>) target_semaphore(%arg23 : memref<!tpu.dma_semaphore, #tpu.memory_space<semaphore_mem>>)
        %add3A_106 = arith.constant 1 : i32
        %add3A_107 = arith.addi %add3A_48, %add3A_106 : i32
        %add3A_108 = arith.addi %add3A_6, %add3A_107 : i32
        %broadcast_in_dim3A_109 = vector.broadcast %add3A_108 : i32 to vector<16xi32>
        %gather3A_110 = tpu.vector_load_idx %arg8[%broadcast_in_dim3A_109] : memref<5000xi32, #tpu.memory_space<vmem>>[vector<16xi32>], vector<16xi32>,
        %reduce_max3A_111 = arith.constant true
        %reduce_max3A_112 = vector.broadcast %reduce_max3A_111 : i1 to vector<16xi1>
        %reduce_max3A_113 = arith.constant -2147483648 : i32
        %reduce_max3A_114 = vector.broadcast %reduce_max3A_113 : i32 to vector<16xi32>
        %reduce_max3A_115 = arith.xori %gather3A_110, %reduce_max3A_114 : vector<16xi32>
        %reduce_max3A_116 = tpu.scan <max>, %reduce_max3A_115 masked %reduce_max3A_112 : vector<16xi32>, vector<16xi1> -> vector<16xi32>
        %reduce_max3A_117 = arith.xori %reduce_max3A_116, %reduce_max3A_114 : vector<16xi32>
        %reduce_max3A_118 = vector.extract %reduce_max3A_117[15] : i32 from vector<16xi32>
        %dma_start3A_119 = arith.constant 0 : i32
        %dma_start3A_120 = tpu.memref_slice %arg2[%reduce_max3A_118, %dma_start3A_119] : memref<10000x10000xf32, #tpu.memory_space<hbm>> -> memref<1x10000xf32, #tpu.memory_space<hbm>>
        %dma_start3A_121 = tpu.memref_squeeze %dma_start3A_120 : memref<1x10000xf32, #tpu.memory_space<hbm>> -> memref<10000xf32, #tpu.memory_space<hbm>>
        %dma_start3A_122 = arith.constant 0 : i32
        %dma_start3A_123 = tpu.memref_slice %arg2[%reduce_max3A_118, %dma_start3A_122] : memref<10000x10000xf32, #tpu.memory_space<hbm>> -> memref<1x10000xf32, #tpu.memory_space<hbm>>
        %dma_start3A_124 = tpu.memref_squeeze %dma_start3A_123 : memref<1x10000xf32, #tpu.memory_space<hbm>> -> memref<10000xf32, #tpu.memory_space<hbm>>
        tpu.enqueue_dma source(%dma_start3A_124 : memref<10000xf32, #tpu.memory_space<hbm>>) target(%arg10 : memref<10000xf32, #tpu.memory_space<vmem>>) target_semaphore(%arg23 : memref<!tpu.dma_semaphore, #tpu.memory_space<semaphore_mem>>)
      } else {
      }
      %lt3A_53 = arith.cmpi slt, %add3A_42, %select_n3A : i32
      %convert_element_type3A_54 = arith.extui %lt3A_53 : i1 to i32
      %cond3A_55 = arith.constant 0 : i32
      %cond3A_56 = arith.cmpi ne, %convert_element_type3A_54, %cond3A_55 : i32
      scf.if %cond3A_56 {
        %dma_wait3A = arith.constant 0 : i32
        %dma_wait3A_93 = arith.constant 0 : i32
        %dma_wait3A_94 = tpu.memref_slice %arg6[%dma_wait3A, %dma_wait3A_93] : memref<5000x5000xf32, #tpu.memory_space<hbm>> -> memref<1x5000xf32, #tpu.memory_space<hbm>>
        %dma_wait3A_95 = tpu.memref_squeeze %dma_wait3A_94 : memref<1x5000xf32, #tpu.memory_space<hbm>> -> memref<5000xf32, #tpu.memory_space<hbm>>
        %dma_wait3A_96 = arith.constant 0 : i32
        %dma_wait3A_97 = tpu.memref_slice %arg6[%dma_wait3A, %dma_wait3A_96] : memref<5000x5000xf32, #tpu.memory_space<hbm>> -> memref<1x5000xf32, #tpu.memory_space<hbm>>
        %dma_wait3A_98 = tpu.memref_squeeze %dma_wait3A_97 : memref<1x5000xf32, #tpu.memory_space<hbm>> -> memref<5000xf32, #tpu.memory_space<hbm>>
        tpu.wait_dma2 semaphore(%arg26 : memref<!tpu.dma_semaphore, #tpu.memory_space<semaphore_mem>>) src(%arg15 : memref<5000xf32, #tpu.memory_space<vmem>>) dst(%dma_wait3A_98 : memref<5000xf32, #tpu.memory_space<hbm>>)
        %dma_wait3A_99 = arith.constant 0 : i32
        %dma_wait3A_100 = arith.constant 0 : i32
        %dma_wait3A_101 = tpu.memref_slice %arg6[%dma_wait3A_99, %dma_wait3A_100] : memref<5000x5000xf32, #tpu.memory_space<hbm>> -> memref<1x5000xf32, #tpu.memory_space<hbm>>
        %dma_wait3A_102 = tpu.memref_squeeze %dma_wait3A_101 : memref<1x5000xf32, #tpu.memory_space<hbm>> -> memref<5000xf32, #tpu.memory_space<hbm>>
        %dma_wait3A_103 = arith.constant 0 : i32
        %dma_wait3A_104 = tpu.memref_slice %arg6[%dma_wait3A_99, %dma_wait3A_103] : memref<5000x5000xf32, #tpu.memory_space<hbm>> -> memref<1x5000xf32, #tpu.memory_space<hbm>>
        %dma_wait3A_105 = tpu.memref_squeeze %dma_wait3A_104 : memref<1x5000xf32, #tpu.memory_space<hbm>> -> memref<5000xf32, #tpu.memory_space<hbm>>
        tpu.wait_dma2 semaphore(%arg26 : memref<!tpu.dma_semaphore, #tpu.memory_space<semaphore_mem>>) src(%arg16 : memref<5000xf32, #tpu.memory_space<vmem>>) dst(%dma_wait3A_105 : memref<5000xf32, #tpu.memory_space<hbm>>)
      } else {
      }
      %add3A_57 = arith.constant 2 : i32
      %add3A_58 = arith.addi %add3A_42, %add3A_57 : i32
      %lt3A_59 = arith.cmpi slt, %add3A_58, %select_n3A : i32
      %convert_element_type3A_60 = arith.extui %lt3A_59 : i1 to i32
      %cond3A_61 = arith.constant 0 : i32
      %cond3A_62 = arith.cmpi ne, %convert_element_type3A_60, %cond3A_61 : i32
      scf.if %cond3A_62 {
        %dma_wait3A = arith.constant 0 : i32
        %dma_wait3A_93 = arith.constant 0 : i32
        %dma_wait3A_94 = tpu.memref_slice %arg2[%dma_wait3A, %dma_wait3A_93] : memref<10000x10000xf32, #tpu.memory_space<hbm>> -> memref<1x10000xf32, #tpu.memory_space<hbm>>
        %dma_wait3A_95 = tpu.memref_squeeze %dma_wait3A_94 : memref<1x10000xf32, #tpu.memory_space<hbm>> -> memref<10000xf32, #tpu.memory_space<hbm>>
        %dma_wait3A_96 = arith.constant 0 : i32
        %dma_wait3A_97 = tpu.memref_slice %arg2[%dma_wait3A, %dma_wait3A_96] : memref<10000x10000xf32, #tpu.memory_space<hbm>> -> memref<1x10000xf32, #tpu.memory_space<hbm>>
        %dma_wait3A_98 = tpu.memref_squeeze %dma_wait3A_97 : memref<1x10000xf32, #tpu.memory_space<hbm>> -> memref<10000xf32, #tpu.memory_space<hbm>>
        tpu.wait_dma2 semaphore(%arg24 : memref<!tpu.dma_semaphore, #tpu.memory_space<semaphore_mem>>) src(%dma_wait3A_98 : memref<10000xf32, #tpu.memory_space<hbm>>) dst(%arg11 : memref<10000xf32, #tpu.memory_space<vmem>>)
        %dma_wait3A_99 = arith.constant 0 : i32
        %dma_wait3A_100 = arith.constant 0 : i32
        %dma_wait3A_101 = tpu.memref_slice %arg2[%dma_wait3A_99, %dma_wait3A_100] : memref<10000x10000xf32, #tpu.memory_space<hbm>> -> memref<1x10000xf32, #tpu.memory_space<hbm>>
        %dma_wait3A_102 = tpu.memref_squeeze %dma_wait3A_101 : memref<1x10000xf32, #tpu.memory_space<hbm>> -> memref<10000xf32, #tpu.memory_space<hbm>>
        %dma_wait3A_103 = arith.constant 0 : i32
        %dma_wait3A_104 = tpu.memref_slice %arg2[%dma_wait3A_99, %dma_wait3A_103] : memref<10000x10000xf32, #tpu.memory_space<hbm>> -> memref<1x10000xf32, #tpu.memory_space<hbm>>
        %dma_wait3A_105 = tpu.memref_squeeze %dma_wait3A_104 : memref<1x10000xf32, #tpu.memory_space<hbm>> -> memref<10000xf32, #tpu.memory_space<hbm>>
        tpu.wait_dma2 semaphore(%arg24 : memref<!tpu.dma_semaphore, #tpu.memory_space<semaphore_mem>>) src(%dma_wait3A_105 : memref<10000xf32, #tpu.memory_space<hbm>>) dst(%arg12 : memref<10000xf32, #tpu.memory_space<vmem>>)
        %parallel_loop3A = arith.constant 0 : i32
        %parallel_loop3A_106 = arith.constant 4992 : i32
        %parallel_loop3A_107 = arith.constant 16 : i32
        scf.for %parallel_loop3A_136 = %parallel_loop3A to %parallel_loop3A_106 step %parallel_loop3A_107  : i32 {
          %parallel_loop3A_137 = arith.index_cast %parallel_loop3A_136 : i32 to index
          %parallel_loop3A_138 = tpu.vector_load %arg8[%parallel_loop3A_137] {strides = array<i32>} : memref<5000xi32, #tpu.memory_space<vmem>>, vector<16xi32>,
          %parallel_loop3A_139 = tpu.vector_load_idx %arg11[%parallel_loop3A_138] : memref<10000xf32, #tpu.memory_space<vmem>>[vector<16xi32>], vector<16xf32>,
          %parallel_loop3A_140 = arith.index_cast %parallel_loop3A_136 : i32 to index
          %parallel_loop3A_141 = tpu.vector_load %arg17[%parallel_loop3A_140] {strides = array<i32>} : memref<5000xf32, #tpu.memory_space<vmem>>, vector<16xf32>,
          tpu.vector_store %arg17[%parallel_loop3A_140], %parallel_loop3A_139 {strides = array<i32>} : memref<5000xf32, #tpu.memory_space<vmem>>, vector<16xf32>,
          %parallel_loop3A_142 = tpu.vector_load_idx %arg12[%parallel_loop3A_138] : memref<10000xf32, #tpu.memory_space<vmem>>[vector<16xi32>], vector<16xf32>,
          %parallel_loop3A_143 = arith.index_cast %parallel_loop3A_136 : i32 to index
          %parallel_loop3A_144 = tpu.vector_load %arg18[%parallel_loop3A_143] {strides = array<i32>} : memref<5000xf32, #tpu.memory_space<vmem>>, vector<16xf32>,
          tpu.vector_store %arg18[%parallel_loop3A_143], %parallel_loop3A_142 {strides = array<i32>} : memref<5000xf32, #tpu.memory_space<vmem>>, vector<16xf32>,
        } {sc.loop_unroll_factor = 8 : i64, sc.parallel_access}
        %add3A_108 = arith.constant 4992 : i32
        %add3A_109 = vector.broadcast %add3A_108 : i32 to vector<16xi32>
        %add3A_110 = arith.addi %iota3A, %add3A_109 : vector<16xi32>
        %min3A_111 = arith.constant 4999 : i32
        %min3A_112 = vector.broadcast %min3A_111 : i32 to vector<16xi32>
        %min3A_113 = arith.minsi %add3A_110, %min3A_112 : vector<16xi32>
        %gather3A = tpu.vector_load_idx %arg8[%min3A_113] : memref<5000xi32, #tpu.memory_space<vmem>>[vector<16xi32>], vector<16xi32>,
        %jit3A_114 = arith.constant 0 : i32
        %broadcast_in_dim3A = vector.broadcast %jit3A_114 : i32 to vector<16xi32>
        %select_n3A_115 = arith.select %lt3A_11, %gather3A, %broadcast_in_dim3A : vector<16xi1>, vector<16xi32>
        %add3A_116 = arith.constant 4992 : i32
        %add3A_117 = vector.broadcast %add3A_116 : i32 to vector<16xi32>
        %add3A_118 = arith.addi %iota3A, %add3A_117 : vector<16xi32>
        %gather3A_119 = tpu.vector_load_idx %arg11[%select_n3A_115] : memref<10000xf32, #tpu.memory_space<vmem>>[vector<16xi32>], vector<16xf32>,
        tpu.vector_store_idx %arg17[%add3A_118], %gather3A_119 masked %lt3A_11 : memref<5000xf32, #tpu.memory_space<vmem>>[vector<16xi32>], vector<16xf32>, vector<16xi1>
        %gather3A_120 = tpu.vector_load_idx %arg12[%select_n3A_115] : memref<10000xf32, #tpu.memory_space<vmem>>[vector<16xi32>], vector<16xf32>,
        tpu.vector_store_idx %arg18[%add3A_118], %gather3A_120 masked %lt3A_11 : memref<5000xf32, #tpu.memory_space<vmem>>[vector<16xi32>], vector<16xf32>, vector<16xi1>
        %add3A_121 = arith.addi %add3A_6, %add3A_58 : i32
        %dma_start3A = arith.constant 0 : i32
        %dma_start3A_122 = tpu.memref_slice %arg6[%add3A_121, %dma_start3A] : memref<5000x5000xf32, #tpu.memory_space<hbm>> -> memref<1x5000xf32, #tpu.memory_space<hbm>>
        %dma_start3A_123 = tpu.memref_squeeze %dma_start3A_122 : memref<1x5000xf32, #tpu.memory_space<hbm>> -> memref<5000xf32, #tpu.memory_space<hbm>>
        %dma_start3A_124 = arith.constant 0 : i32
        %dma_start3A_125 = tpu.memref_slice %arg6[%add3A_121, %dma_start3A_124] : memref<5000x5000xf32, #tpu.memory_space<hbm>> -> memref<1x5000xf32, #tpu.memory_space<hbm>>
        %dma_start3A_126 = tpu.memref_squeeze %dma_start3A_125 : memref<1x5000xf32, #tpu.memory_space<hbm>> -> memref<5000xf32, #tpu.memory_space<hbm>>
        tpu.enqueue_dma source(%arg17 : memref<5000xf32, #tpu.memory_space<vmem>>) target(%dma_start3A_126 : memref<5000xf32, #tpu.memory_space<hbm>>) target_semaphore(%arg27 : memref<!tpu.dma_semaphore, #tpu.memory_space<semaphore_mem>>)
        %add3A_127 = arith.addi %add3A_6, %add3A_58 : i32
        %add3A_128 = arith.constant 1 : i32
        %add3A_129 = arith.addi %add3A_127, %add3A_128 : i32
        %dma_start3A_130 = arith.constant 0 : i32
        %dma_start3A_131 = tpu.memref_slice %arg6[%add3A_129, %dma_start3A_130] : memref<5000x5000xf32, #tpu.memory_space<hbm>> -> memref<1x5000xf32, #tpu.memory_space<hbm>>
        %dma_start3A_132 = tpu.memref_squeeze %dma_start3A_131 : memref<1x5000xf32, #tpu.memory_space<hbm>> -> memref<5000xf32, #tpu.memory_space<hbm>>
        %dma_start3A_133 = arith.constant 0 : i32
        %dma_start3A_134 = tpu.memref_slice %arg6[%add3A_129, %dma_start3A_133] : memref<5000x5000xf32, #tpu.memory_space<hbm>> -> memref<1x5000xf32, #tpu.memory_space<hbm>>
        %dma_start3A_135 = tpu.memref_squeeze %dma_start3A_134 : memref<1x5000xf32, #tpu.memory_space<hbm>> -> memref<5000xf32, #tpu.memory_space<hbm>>
        tpu.enqueue_dma source(%arg18 : memref<5000xf32, #tpu.memory_space<vmem>>) target(%dma_start3A_135 : memref<5000xf32, #tpu.memory_space<hbm>>) target_semaphore(%arg27 : memref<!tpu.dma_semaphore, #tpu.memory_space<semaphore_mem>>)
      } else {
      }
      %add3A_63 = arith.constant 8 : i32
      %add3A_64 = arith.addi %add3A_42, %add3A_63 : i32
      %lt3A_65 = arith.cmpi slt, %add3A_64, %select_n3A : i32
      %convert_element_type3A_66 = arith.extui %lt3A_65 : i1 to i32
      %cond3A_67 = arith.constant 0 : i32
      %cond3A_68 = arith.cmpi ne, %convert_element_type3A_66, %cond3A_67 : i32
      scf.if %cond3A_68 {
        %add3A_93 = arith.addi %add3A_6, %add3A_64 : i32
        %broadcast_in_dim3A = vector.broadcast %add3A_93 : i32 to vector<16xi32>
        %gather3A = tpu.vector_load_idx %arg8[%broadcast_in_dim3A] : memref<5000xi32, #tpu.memory_space<vmem>>[vector<16xi32>], vector<16xi32>,
        %reduce_max3A = arith.constant true
        %reduce_max3A_94 = vector.broadcast %reduce_max3A : i1 to vector<16xi1>
        %reduce_max3A_95 = arith.constant -2147483648 : i32
        %reduce_max3A_96 = vector.broadcast %reduce_max3A_95 : i32 to vector<16xi32>
        %reduce_max3A_97 = arith.xori %gather3A, %reduce_max3A_96 : vector<16xi32>
        %reduce_max3A_98 = tpu.scan <max>, %reduce_max3A_97 masked %reduce_max3A_94 : vector<16xi32>, vector<16xi1> -> vector<16xi32>
        %reduce_max3A_99 = arith.xori %reduce_max3A_98, %reduce_max3A_96 : vector<16xi32>
        %reduce_max3A_100 = vector.extract %reduce_max3A_99[15] : i32 from vector<16xi32>
        %dma_start3A = arith.constant 0 : i32
        %dma_start3A_101 = tpu.memref_slice %arg2[%reduce_max3A_100, %dma_start3A] : memref<10000x10000xf32, #tpu.memory_space<hbm>> -> memref<1x10000xf32, #tpu.memory_space<hbm>>
        %dma_start3A_102 = tpu.memref_squeeze %dma_start3A_101 : memref<1x10000xf32, #tpu.memory_space<hbm>> -> memref<10000xf32, #tpu.memory_space<hbm>>
        %dma_start3A_103 = arith.constant 0 : i32
        %dma_start3A_104 = tpu.memref_slice %arg2[%reduce_max3A_100, %dma_start3A_103] : memref<10000x10000xf32, #tpu.memory_space<hbm>> -> memref<1x10000xf32, #tpu.memory_space<hbm>>
        %dma_start3A_105 = tpu.memref_squeeze %dma_start3A_104 : memref<1x10000xf32, #tpu.memory_space<hbm>> -> memref<10000xf32, #tpu.memory_space<hbm>>
        tpu.enqueue_dma source(%dma_start3A_105 : memref<10000xf32, #tpu.memory_space<hbm>>) target(%arg11 : memref<10000xf32, #tpu.memory_space<vmem>>) target_semaphore(%arg24 : memref<!tpu.dma_semaphore, #tpu.memory_space<semaphore_mem>>)
        %add3A_106 = arith.constant 1 : i32
        %add3A_107 = arith.addi %add3A_64, %add3A_106 : i32
        %add3A_108 = arith.addi %add3A_6, %add3A_107 : i32
        %broadcast_in_dim3A_109 = vector.broadcast %add3A_108 : i32 to vector<16xi32>
        %gather3A_110 = tpu.vector_load_idx %arg8[%broadcast_in_dim3A_109] : memref<5000xi32, #tpu.memory_space<vmem>>[vector<16xi32>], vector<16xi32>,
        %reduce_max3A_111 = arith.constant true
        %reduce_max3A_112 = vector.broadcast %reduce_max3A_111 : i1 to vector<16xi1>
        %reduce_max3A_113 = arith.constant -2147483648 : i32
        %reduce_max3A_114 = vector.broadcast %reduce_max3A_113 : i32 to vector<16xi32>
        %reduce_max3A_115 = arith.xori %gather3A_110, %reduce_max3A_114 : vector<16xi32>
        %reduce_max3A_116 = tpu.scan <max>, %reduce_max3A_115 masked %reduce_max3A_112 : vector<16xi32>, vector<16xi1> -> vector<16xi32>
        %reduce_max3A_117 = arith.xori %reduce_max3A_116, %reduce_max3A_114 : vector<16xi32>
        %reduce_max3A_118 = vector.extract %reduce_max3A_117[15] : i32 from vector<16xi32>
        %dma_start3A_119 = arith.constant 0 : i32
        %dma_start3A_120 = tpu.memref_slice %arg2[%reduce_max3A_118, %dma_start3A_119] : memref<10000x10000xf32, #tpu.memory_space<hbm>> -> memref<1x10000xf32, #tpu.memory_space<hbm>>
        %dma_start3A_121 = tpu.memref_squeeze %dma_start3A_120 : memref<1x10000xf32, #tpu.memory_space<hbm>> -> memref<10000xf32, #tpu.memory_space<hbm>>
        %dma_start3A_122 = arith.constant 0 : i32
        %dma_start3A_123 = tpu.memref_slice %arg2[%reduce_max3A_118, %dma_start3A_122] : memref<10000x10000xf32, #tpu.memory_space<hbm>> -> memref<1x10000xf32, #tpu.memory_space<hbm>>
        %dma_start3A_124 = tpu.memref_squeeze %dma_start3A_123 : memref<1x10000xf32, #tpu.memory_space<hbm>> -> memref<10000xf32, #tpu.memory_space<hbm>>
        tpu.enqueue_dma source(%dma_start3A_124 : memref<10000xf32, #tpu.memory_space<hbm>>) target(%arg12 : memref<10000xf32, #tpu.memory_space<vmem>>) target_semaphore(%arg24 : memref<!tpu.dma_semaphore, #tpu.memory_space<semaphore_mem>>)
      } else {
      }
      %add3A_69 = arith.constant 2 : i32
      %add3A_70 = arith.addi %add3A_42, %add3A_69 : i32
      %lt3A_71 = arith.cmpi slt, %add3A_70, %select_n3A : i32
      %convert_element_type3A_72 = arith.extui %lt3A_71 : i1 to i32
      %cond3A_73 = arith.constant 0 : i32
      %cond3A_74 = arith.cmpi ne, %convert_element_type3A_72, %cond3A_73 : i32
      scf.if %cond3A_74 {
        %dma_wait3A = arith.constant 0 : i32
        %dma_wait3A_93 = arith.constant 0 : i32
        %dma_wait3A_94 = tpu.memref_slice %arg6[%dma_wait3A, %dma_wait3A_93] : memref<5000x5000xf32, #tpu.memory_space<hbm>> -> memref<1x5000xf32, #tpu.memory_space<hbm>>
        %dma_wait3A_95 = tpu.memref_squeeze %dma_wait3A_94 : memref<1x5000xf32, #tpu.memory_space<hbm>> -> memref<5000xf32, #tpu.memory_space<hbm>>
        %dma_wait3A_96 = arith.constant 0 : i32
        %dma_wait3A_97 = tpu.memref_slice %arg6[%dma_wait3A, %dma_wait3A_96] : memref<5000x5000xf32, #tpu.memory_space<hbm>> -> memref<1x5000xf32, #tpu.memory_space<hbm>>
        %dma_wait3A_98 = tpu.memref_squeeze %dma_wait3A_97 : memref<1x5000xf32, #tpu.memory_space<hbm>> -> memref<5000xf32, #tpu.memory_space<hbm>>
        tpu.wait_dma2 semaphore(%arg27 : memref<!tpu.dma_semaphore, #tpu.memory_space<semaphore_mem>>) src(%arg17 : memref<5000xf32, #tpu.memory_space<vmem>>) dst(%dma_wait3A_98 : memref<5000xf32, #tpu.memory_space<hbm>>)
        %dma_wait3A_99 = arith.constant 0 : i32
        %dma_wait3A_100 = arith.constant 0 : i32
        %dma_wait3A_101 = tpu.memref_slice %arg6[%dma_wait3A_99, %dma_wait3A_100] : memref<5000x5000xf32, #tpu.memory_space<hbm>> -> memref<1x5000xf32, #tpu.memory_space<hbm>>
        %dma_wait3A_102 = tpu.memref_squeeze %dma_wait3A_101 : memref<1x5000xf32, #tpu.memory_space<hbm>> -> memref<5000xf32, #tpu.memory_space<hbm>>
        %dma_wait3A_103 = arith.constant 0 : i32
        %dma_wait3A_104 = tpu.memref_slice %arg6[%dma_wait3A_99, %dma_wait3A_103] : memref<5000x5000xf32, #tpu.memory_space<hbm>> -> memref<1x5000xf32, #tpu.memory_space<hbm>>
        %dma_wait3A_105 = tpu.memref_squeeze %dma_wait3A_104 : memref<1x5000xf32, #tpu.memory_space<hbm>> -> memref<5000xf32, #tpu.memory_space<hbm>>
        tpu.wait_dma2 semaphore(%arg27 : memref<!tpu.dma_semaphore, #tpu.memory_space<semaphore_mem>>) src(%arg18 : memref<5000xf32, #tpu.memory_space<vmem>>) dst(%dma_wait3A_105 : memref<5000xf32, #tpu.memory_space<hbm>>)
      } else {
      }
      %add3A_75 = arith.constant 4 : i32
      %add3A_76 = arith.addi %add3A_42, %add3A_75 : i32
      %lt3A_77 = arith.cmpi slt, %add3A_76, %select_n3A : i32
      %convert_element_type3A_78 = arith.extui %lt3A_77 : i1 to i32
      %cond3A_79 = arith.constant 0 : i32
      %cond3A_80 = arith.cmpi ne, %convert_element_type3A_78, %cond3A_79 : i32
      scf.if %cond3A_80 {
        %dma_wait3A = arith.constant 0 : i32
        %dma_wait3A_93 = arith.constant 0 : i32
        %dma_wait3A_94 = tpu.memref_slice %arg2[%dma_wait3A, %dma_wait3A_93] : memref<10000x10000xf32, #tpu.memory_space<hbm>> -> memref<1x10000xf32, #tpu.memory_space<hbm>>
        %dma_wait3A_95 = tpu.memref_squeeze %dma_wait3A_94 : memref<1x10000xf32, #tpu.memory_space<hbm>> -> memref<10000xf32, #tpu.memory_space<hbm>>
        %dma_wait3A_96 = arith.constant 0 : i32
        %dma_wait3A_97 = tpu.memref_slice %arg2[%dma_wait3A, %dma_wait3A_96] : memref<10000x10000xf32, #tpu.memory_space<hbm>> -> memref<1x10000xf32, #tpu.memory_space<hbm>>
        %dma_wait3A_98 = tpu.memref_squeeze %dma_wait3A_97 : memref<1x10000xf32, #tpu.memory_space<hbm>> -> memref<10000xf32, #tpu.memory_space<hbm>>
        tpu.wait_dma2 semaphore(%arg25 : memref<!tpu.dma_semaphore, #tpu.memory_space<semaphore_mem>>) src(%dma_wait3A_98 : memref<10000xf32, #tpu.memory_space<hbm>>) dst(%arg13 : memref<10000xf32, #tpu.memory_space<vmem>>)
        %dma_wait3A_99 = arith.constant 0 : i32
        %dma_wait3A_100 = arith.constant 0 : i32
        %dma_wait3A_101 = tpu.memref_slice %arg2[%dma_wait3A_99, %dma_wait3A_100] : memref<10000x10000xf32, #tpu.memory_space<hbm>> -> memref<1x10000xf32, #tpu.memory_space<hbm>>
        %dma_wait3A_102 = tpu.memref_squeeze %dma_wait3A_101 : memref<1x10000xf32, #tpu.memory_space<hbm>> -> memref<10000xf32, #tpu.memory_space<hbm>>
        %dma_wait3A_103 = arith.constant 0 : i32
        %dma_wait3A_104 = tpu.memref_slice %arg2[%dma_wait3A_99, %dma_wait3A_103] : memref<10000x10000xf32, #tpu.memory_space<hbm>> -> memref<1x10000xf32, #tpu.memory_space<hbm>>
        %dma_wait3A_105 = tpu.memref_squeeze %dma_wait3A_104 : memref<1x10000xf32, #tpu.memory_space<hbm>> -> memref<10000xf32, #tpu.memory_space<hbm>>
        tpu.wait_dma2 semaphore(%arg25 : memref<!tpu.dma_semaphore, #tpu.memory_space<semaphore_mem>>) src(%dma_wait3A_105 : memref<10000xf32, #tpu.memory_space<hbm>>) dst(%arg14 : memref<10000xf32, #tpu.memory_space<vmem>>)
        %parallel_loop3A = arith.constant 0 : i32
        %parallel_loop3A_106 = arith.constant 4992 : i32
        %parallel_loop3A_107 = arith.constant 16 : i32
        scf.for %parallel_loop3A_136 = %parallel_loop3A to %parallel_loop3A_106 step %parallel_loop3A_107  : i32 {
          %parallel_loop3A_137 = arith.index_cast %parallel_loop3A_136 : i32 to index
          %parallel_loop3A_138 = tpu.vector_load %arg8[%parallel_loop3A_137] {strides = array<i32>} : memref<5000xi32, #tpu.memory_space<vmem>>, vector<16xi32>,
          %parallel_loop3A_139 = tpu.vector_load_idx %arg13[%parallel_loop3A_138] : memref<10000xf32, #tpu.memory_space<vmem>>[vector<16xi32>], vector<16xf32>,
          %parallel_loop3A_140 = arith.index_cast %parallel_loop3A_136 : i32 to index
          %parallel_loop3A_141 = tpu.vector_load %arg19[%parallel_loop3A_140] {strides = array<i32>} : memref<5000xf32, #tpu.memory_space<vmem>>, vector<16xf32>,
          tpu.vector_store %arg19[%parallel_loop3A_140], %parallel_loop3A_139 {strides = array<i32>} : memref<5000xf32, #tpu.memory_space<vmem>>, vector<16xf32>,
          %parallel_loop3A_142 = tpu.vector_load_idx %arg14[%parallel_loop3A_138] : memref<10000xf32, #tpu.memory_space<vmem>>[vector<16xi32>], vector<16xf32>,
          %parallel_loop3A_143 = arith.index_cast %parallel_loop3A_136 : i32 to index
          %parallel_loop3A_144 = tpu.vector_load %arg20[%parallel_loop3A_143] {strides = array<i32>} : memref<5000xf32, #tpu.memory_space<vmem>>, vector<16xf32>,
          tpu.vector_store %arg20[%parallel_loop3A_143], %parallel_loop3A_142 {strides = array<i32>} : memref<5000xf32, #tpu.memory_space<vmem>>, vector<16xf32>,
        } {sc.loop_unroll_factor = 8 : i64, sc.parallel_access}
        %add3A_108 = arith.constant 4992 : i32
        %add3A_109 = vector.broadcast %add3A_108 : i32 to vector<16xi32>
        %add3A_110 = arith.addi %iota3A, %add3A_109 : vector<16xi32>
        %min3A_111 = arith.constant 4999 : i32
        %min3A_112 = vector.broadcast %min3A_111 : i32 to vector<16xi32>
        %min3A_113 = arith.minsi %add3A_110, %min3A_112 : vector<16xi32>
        %gather3A = tpu.vector_load_idx %arg8[%min3A_113] : memref<5000xi32, #tpu.memory_space<vmem>>[vector<16xi32>], vector<16xi32>,
        %jit3A_114 = arith.constant 0 : i32
        %broadcast_in_dim3A = vector.broadcast %jit3A_114 : i32 to vector<16xi32>
        %select_n3A_115 = arith.select %lt3A_11, %gather3A, %broadcast_in_dim3A : vector<16xi1>, vector<16xi32>
        %add3A_116 = arith.constant 4992 : i32
        %add3A_117 = vector.broadcast %add3A_116 : i32 to vector<16xi32>
        %add3A_118 = arith.addi %iota3A, %add3A_117 : vector<16xi32>
        %gather3A_119 = tpu.vector_load_idx %arg13[%select_n3A_115] : memref<10000xf32, #tpu.memory_space<vmem>>[vector<16xi32>], vector<16xf32>,
        tpu.vector_store_idx %arg19[%add3A_118], %gather3A_119 masked %lt3A_11 : memref<5000xf32, #tpu.memory_space<vmem>>[vector<16xi32>], vector<16xf32>, vector<16xi1>
        %gather3A_120 = tpu.vector_load_idx %arg14[%select_n3A_115] : memref<10000xf32, #tpu.memory_space<vmem>>[vector<16xi32>], vector<16xf32>,
        tpu.vector_store_idx %arg20[%add3A_118], %gather3A_120 masked %lt3A_11 : memref<5000xf32, #tpu.memory_space<vmem>>[vector<16xi32>], vector<16xf32>, vector<16xi1>
        %add3A_121 = arith.addi %add3A_6, %add3A_76 : i32
        %dma_start3A = arith.constant 0 : i32
        %dma_start3A_122 = tpu.memref_slice %arg6[%add3A_121, %dma_start3A] : memref<5000x5000xf32, #tpu.memory_space<hbm>> -> memref<1x5000xf32, #tpu.memory_space<hbm>>
        %dma_start3A_123 = tpu.memref_squeeze %dma_start3A_122 : memref<1x5000xf32, #tpu.memory_space<hbm>> -> memref<5000xf32, #tpu.memory_space<hbm>>
        %dma_start3A_124 = arith.constant 0 : i32
        %dma_start3A_125 = tpu.memref_slice %arg6[%add3A_121, %dma_start3A_124] : memref<5000x5000xf32, #tpu.memory_space<hbm>> -> memref<1x5000xf32, #tpu.memory_space<hbm>>
        %dma_start3A_126 = tpu.memref_squeeze %dma_start3A_125 : memref<1x5000xf32, #tpu.memory_space<hbm>> -> memref<5000xf32, #tpu.memory_space<hbm>>
        tpu.enqueue_dma source(%arg19 : memref<5000xf32, #tpu.memory_space<vmem>>) target(%dma_start3A_126 : memref<5000xf32, #tpu.memory_space<hbm>>) target_semaphore(%arg28 : memref<!tpu.dma_semaphore, #tpu.memory_space<semaphore_mem>>)
        %add3A_127 = arith.addi %add3A_6, %add3A_76 : i32
        %add3A_128 = arith.constant 1 : i32
        %add3A_129 = arith.addi %add3A_127, %add3A_128 : i32
        %dma_start3A_130 = arith.constant 0 : i32
        %dma_start3A_131 = tpu.memref_slice %arg6[%add3A_129, %dma_start3A_130] : memref<5000x5000xf32, #tpu.memory_space<hbm>> -> memref<1x5000xf32, #tpu.memory_space<hbm>>
        %dma_start3A_132 = tpu.memref_squeeze %dma_start3A_131 : memref<1x5000xf32, #tpu.memory_space<hbm>> -> memref<5000xf32, #tpu.memory_space<hbm>>
        %dma_start3A_133 = arith.constant 0 : i32
        %dma_start3A_134 = tpu.memref_slice %arg6[%add3A_129, %dma_start3A_133] : memref<5000x5000xf32, #tpu.memory_space<hbm>> -> memref<1x5000xf32, #tpu.memory_space<hbm>>
        %dma_start3A_135 = tpu.memref_squeeze %dma_start3A_134 : memref<1x5000xf32, #tpu.memory_space<hbm>> -> memref<5000xf32, #tpu.memory_space<hbm>>
        tpu.enqueue_dma source(%arg20 : memref<5000xf32, #tpu.memory_space<vmem>>) target(%dma_start3A_135 : memref<5000xf32, #tpu.memory_space<hbm>>) target_semaphore(%arg28 : memref<!tpu.dma_semaphore, #tpu.memory_space<semaphore_mem>>)
      } else {
      }
      %add3A_81 = arith.constant 10 : i32
      %add3A_82 = arith.addi %add3A_42, %add3A_81 : i32
      %lt3A_83 = arith.cmpi slt, %add3A_82, %select_n3A : i32
      %convert_element_type3A_84 = arith.extui %lt3A_83 : i1 to i32
      %cond3A_85 = arith.constant 0 : i32
      %cond3A_86 = arith.cmpi ne, %convert_element_type3A_84, %cond3A_85 : i32
      scf.if %cond3A_86 {
        %add3A_93 = arith.addi %add3A_6, %add3A_82 : i32
        %broadcast_in_dim3A = vector.broadcast %add3A_93 : i32 to vector<16xi32>
        %gather3A = tpu.vector_load_idx %arg8[%broadcast_in_dim3A] : memref<5000xi32, #tpu.memory_space<vmem>>[vector<16xi32>], vector<16xi32>,
        %reduce_max3A = arith.constant true
        %reduce_max3A_94 = vector.broadcast %reduce_max3A : i1 to vector<16xi1>
        %reduce_max3A_95 = arith.constant -2147483648 : i32
        %reduce_max3A_96 = vector.broadcast %reduce_max3A_95 : i32 to vector<16xi32>
        %reduce_max3A_97 = arith.xori %gather3A, %reduce_max3A_96 : vector<16xi32>
        %reduce_max3A_98 = tpu.scan <max>, %reduce_max3A_97 masked %reduce_max3A_94 : vector<16xi32>, vector<16xi1> -> vector<16xi32>
        %reduce_max3A_99 = arith.xori %reduce_max3A_98, %reduce_max3A_96 : vector<16xi32>
        %reduce_max3A_100 = vector.extract %reduce_max3A_99[15] : i32 from vector<16xi32>
        %dma_start3A = arith.constant 0 : i32
        %dma_start3A_101 = tpu.memref_slice %arg2[%reduce_max3A_100, %dma_start3A] : memref<10000x10000xf32, #tpu.memory_space<hbm>> -> memref<1x10000xf32, #tpu.memory_space<hbm>>
        %dma_start3A_102 = tpu.memref_squeeze %dma_start3A_101 : memref<1x10000xf32, #tpu.memory_space<hbm>> -> memref<10000xf32, #tpu.memory_space<hbm>>
        %dma_start3A_103 = arith.constant 0 : i32
        %dma_start3A_104 = tpu.memref_slice %arg2[%reduce_max3A_100, %dma_start3A_103] : memref<10000x10000xf32, #tpu.memory_space<hbm>> -> memref<1x10000xf32, #tpu.memory_space<hbm>>
        %dma_start3A_105 = tpu.memref_squeeze %dma_start3A_104 : memref<1x10000xf32, #tpu.memory_space<hbm>> -> memref<10000xf32, #tpu.memory_space<hbm>>
        tpu.enqueue_dma source(%dma_start3A_105 : memref<10000xf32, #tpu.memory_space<hbm>>) target(%arg13 : memref<10000xf32, #tpu.memory_space<vmem>>) target_semaphore(%arg25 : memref<!tpu.dma_semaphore, #tpu.memory_space<semaphore_mem>>)
        %add3A_106 = arith.constant 1 : i32
        %add3A_107 = arith.addi %add3A_82, %add3A_106 : i32
        %add3A_108 = arith.addi %add3A_6, %add3A_107 : i32
        %broadcast_in_dim3A_109 = vector.broadcast %add3A_108 : i32 to vector<16xi32>
        %gather3A_110 = tpu.vector_load_idx %arg8[%broadcast_in_dim3A_109] : memref<5000xi32, #tpu.memory_space<vmem>>[vector<16xi32>], vector<16xi32>,
        %reduce_max3A_111 = arith.constant true
        %reduce_max3A_112 = vector.broadcast %reduce_max3A_111 : i1 to vector<16xi1>
        %reduce_max3A_113 = arith.constant -2147483648 : i32
        %reduce_max3A_114 = vector.broadcast %reduce_max3A_113 : i32 to vector<16xi32>
        %reduce_max3A_115 = arith.xori %gather3A_110, %reduce_max3A_114 : vector<16xi32>
        %reduce_max3A_116 = tpu.scan <max>, %reduce_max3A_115 masked %reduce_max3A_112 : vector<16xi32>, vector<16xi1> -> vector<16xi32>
        %reduce_max3A_117 = arith.xori %reduce_max3A_116, %reduce_max3A_114 : vector<16xi32>
        %reduce_max3A_118 = vector.extract %reduce_max3A_117[15] : i32 from vector<16xi32>
        %dma_start3A_119 = arith.constant 0 : i32
        %dma_start3A_120 = tpu.memref_slice %arg2[%reduce_max3A_118, %dma_start3A_119] : memref<10000x10000xf32, #tpu.memory_space<hbm>> -> memref<1x10000xf32, #tpu.memory_space<hbm>>
        %dma_start3A_121 = tpu.memref_squeeze %dma_start3A_120 : memref<1x10000xf32, #tpu.memory_space<hbm>> -> memref<10000xf32, #tpu.memory_space<hbm>>
        %dma_start3A_122 = arith.constant 0 : i32
        %dma_start3A_123 = tpu.memref_slice %arg2[%reduce_max3A_118, %dma_start3A_122] : memref<10000x10000xf32, #tpu.memory_space<hbm>> -> memref<1x10000xf32, #tpu.memory_space<hbm>>
        %dma_start3A_124 = tpu.memref_squeeze %dma_start3A_123 : memref<1x10000xf32, #tpu.memory_space<hbm>> -> memref<10000xf32, #tpu.memory_space<hbm>>
        tpu.enqueue_dma source(%dma_start3A_124 : memref<10000xf32, #tpu.memory_space<hbm>>) target(%arg14 : memref<10000xf32, #tpu.memory_space<vmem>>) target_semaphore(%arg25 : memref<!tpu.dma_semaphore, #tpu.memory_space<semaphore_mem>>)
      } else {
      }
      %add3A_87 = arith.constant 4 : i32
      %add3A_88 = arith.addi %add3A_42, %add3A_87 : i32
      %lt3A_89 = arith.cmpi slt, %add3A_88, %select_n3A : i32
      %convert_element_type3A_90 = arith.extui %lt3A_89 : i1 to i32
      %cond3A_91 = arith.constant 0 : i32
      %cond3A_92 = arith.cmpi ne, %convert_element_type3A_90, %cond3A_91 : i32
      scf.if %cond3A_92 {
        %dma_wait3A = arith.constant 0 : i32
        %dma_wait3A_93 = arith.constant 0 : i32
        %dma_wait3A_94 = tpu.memref_slice %arg6[%dma_wait3A, %dma_wait3A_93] : memref<5000x5000xf32, #tpu.memory_space<hbm>> -> memref<1x5000xf32, #tpu.memory_space<hbm>>
        %dma_wait3A_95 = tpu.memref_squeeze %dma_wait3A_94 : memref<1x5000xf32, #tpu.memory_space<hbm>> -> memref<5000xf32, #tpu.memory_space<hbm>>
        %dma_wait3A_96 = arith.constant 0 : i32
        %dma_wait3A_97 = tpu.memref_slice %arg6[%dma_wait3A, %dma_wait3A_96] : memref<5000x5000xf32, #tpu.memory_space<hbm>> -> memref<1x5000xf32, #tpu.memory_space<hbm>>
        %dma_wait3A_98 = tpu.memref_squeeze %dma_wait3A_97 : memref<1x5000xf32, #tpu.memory_space<hbm>> -> memref<5000xf32, #tpu.memory_space<hbm>>
        tpu.wait_dma2 semaphore(%arg28 : memref<!tpu.dma_semaphore, #tpu.memory_space<semaphore_mem>>) src(%arg19 : memref<5000xf32, #tpu.memory_space<vmem>>) dst(%dma_wait3A_98 : memref<5000xf32, #tpu.memory_space<hbm>>)
        %dma_wait3A_99 = arith.constant 0 : i32
        %dma_wait3A_100 = arith.constant 0 : i32
        %dma_wait3A_101 = tpu.memref_slice %arg6[%dma_wait3A_99, %dma_wait3A_100] : memref<5000x5000xf32, #tpu.memory_space<hbm>> -> memref<1x5000xf32, #tpu.memory_space<hbm>>
        %dma_wait3A_102 = tpu.memref_squeeze %dma_wait3A_101 : memref<1x5000xf32, #tpu.memory_space<hbm>> -> memref<5000xf32, #tpu.memory_space<hbm>>
        %dma_wait3A_103 = arith.constant 0 : i32
        %dma_wait3A_104 = tpu.memref_slice %arg6[%dma_wait3A_99, %dma_wait3A_103] : memref<5000x5000xf32, #tpu.memory_space<hbm>> -> memref<1x5000xf32, #tpu.memory_space<hbm>>
        %dma_wait3A_105 = tpu.memref_squeeze %dma_wait3A_104 : memref<1x5000xf32, #tpu.memory_space<hbm>> -> memref<5000xf32, #tpu.memory_space<hbm>>
        tpu.wait_dma2 semaphore(%arg28 : memref<!tpu.dma_semaphore, #tpu.memory_space<semaphore_mem>>) src(%arg20 : memref<5000xf32, #tpu.memory_space<vmem>>) dst(%dma_wait3A_105 : memref<5000xf32, #tpu.memory_space<hbm>>)
      } else {
      }
    }
    %scan3A_37 = arith.constant 27 : i32
    return
  }
}

</mosaic_0001>

<sc_bundles>
// kernel: kernel.3.cloned.1.call-start
scs
__scs_entry_jumppad:
0x0: {  	(pc) =	sbr.rel $0x88, $3  }
0x1: {  	(tag) =	ssettag $0x0;
	lr =	simm.s32 $0x1  }
0x2: {  	[smem:$0x3F9D] =	sst lr;
	_ =	strace $0xD0000000  }
0x3: {  	_ = 	snop  }
0x4: {  	_ = 	snop  }
0x5: {  	_ = 	snop  }
0x6: {  	_ = 	snop  }
0x7: {  	_ = 	snop  }
__scs_overlays_trampoline_lowered:
0x8: {  	[smem:$0x3FAC] =	sst s0  }
0x9: {  	[smem:$0x3FAD] =	sst s1  }
0xa: {  	[smem:$0x3FAE] =	sst s2  }
0xb: {  	[smem:$0x3FAF] =	sst s3  }
0xc: {  	[smem:$0x3FB0] =	sst s4  }
0xd: {  	[smem:$0x3FB1] =	sst s5  }
0xe: {  	[smem:$0x3FB2] =	sst s6  }
0xf: {  	[smem:$0x3FB3] =	sst s7  }
0x10: {  	[smem:$0x3FB4] =	sst s8  }
0x11: {  	[smem:$0x3FB5] =	sst s9;
	s0 =	simm.s32 @!p0 $0x0  }
0x12: {  	s1 =	sld [smem:$0x3F9B];
	s0 =	simm.s32 @p0 $0x1  }
0x13: {  	[smem:$0x3FB6] =	sst s0;
	s0 =	simm.s32 @!p1 $0x0  }
0x14: {  	s2 =	sld [smem:$0x3F9A];
	s0 =	simm.s32 @p1 $0x1  }
0x15: {  	[smem:$0x3FB7] =	sst s0;
	s0 =	simm.s32 @!p2 $0x0  }
0x16: {  	s3 =	sld [smem:$0x3FDB];
	s0 =	simm.s32 @p2 $0x1  }
0x17: {  	s4 =	simm.s32 $0x1BF5;
	[smem:$0x3FB9] =	sst s0  }
0x18: {  	s0 =	sld [smem:$0x3F9C];
	_ =	swait.ge [sflag:s4], $0x0  }
0x19: {  	s7 =	sld [smem:$0x3F9D]  }
0x1a: {  	s8 =	sadd.s32 $0xFFFFE003, lr  }
0x1b: {  	s9 =	sadd.s32 $0xFFFFFEF7, lr;
	s5 =	simm.s32 $0xFFFFFFFF;
	p2 =	slt.u32 s8, $0xFFFFF086  }
0x1c: {  	p1 =	slt.u32 s9, $0xF7A;
	s5 =	simm.s32 @!p2 $0x0  }
0x1d: {  	s5 =	simm.s32 @p1 $0x1;
	p0 =	seq.s32 s7, s2  }
0x1e: {  	s7 =	smul.u32 @!p0 $0xF7A, s2;
	p2 =	seq.s32 @!p0 s5, $0x0  }
0x1f: {  	s9 =	smul.u32 $0xF7A, s1;
	s8 =	simm.s32 @!p0 $0x1BF5;
	p2 =	por !p2, p0  }
0x20: {  	[sflag:s8] =	ssyncset.s32 @!p0 $0xFFFFF086;
	s6 =	sadd.s32 @!p0 s3, s7;
	s7 =	simm.s32 @!p0 $0x108  }
0x21: {  	s3 =	sadd.s32 s3, s9;
	s6 =	sadd.s32 @!p0 $0x88, s6;
	s7 =	simm.s32 @p2 $0x1082  }
0x22: {  	[simem:s7], [sflag:s8] =	dma.local @!p0 [hbm:s6], $0xF7A  }
0x23: {  	s9 =	sor.u32 $0xD0000000, s2;
	s6 =	simm.s32 $0x108;
	_ =	swait.ge @!p0 [sflag:s8], $0x0  }
0x24: {  	s3 =	sadd.s32 $0x88, s3;
	s6 =	simm.s32 @!p1 $0x1082;
	[sflag:s4] =	ssyncset.s32 $0xFFFFF086  }
0x25: {  	[simem:s6], [sflag:s4] =	dma.local [hbm:s3], $0xF7A  }
0x26: {  	[smem:$0x3F9D] =	sst s1;
	(tag) =	ssettag s2;
	_ =	strace s9  }
0x27: {  	s1 =	sld [smem:$0x3FAD]  }
0x28: {  	s2 =	sld [smem:$0x3FAE]  }
0x29: {  	s4 =	sld [smem:$0x3FB0]  }
0x2a: {  	p0 =	seq.s32 s5, $0x0;
	s5 =	sld [smem:$0x3FB1]  }
0x2b: {  	s6 =	sld [smem:$0x3FB2]  }
0x2c: {  	s7 =	sld [smem:$0x3FB3]  }
0x2d: {  	s3 =	simm.s32 $0x108;
	s8 =	sld [smem:$0x3FB4]  }
0x2e: {  	s3 =	simm.s32 @!p0 $0x1082;
	s9 =	sld [smem:$0x3FB5]  }
0x2f: {  	lr =	sadd.s32 s0, s3;
	s0 =	sld [smem:$0x3FAC]  }
0x30: {  	s3 =	sld [smem:$0x3FAF]  }
0x31: {  	[smem:$0x3FB8] =	sst s10  }
0x32: {  	s10 =	sld [smem:$0x3FB6];
	_ =	sdelay $0x3  }
0x33: {  	p0 =	seq.s32 s10, $0x1;
	s10 =	sld [smem:$0x3FB8];
	_ =	sdelay $0x3  }
0x34: {  	[smem:$0x3FB8] =	sst s10  }
0x35: {  	s10 =	sld [smem:$0x3FB7];
	_ =	sdelay $0x3  }
0x36: {  	p1 =	seq.s32 s10, $0x1;
	s10 =	sld [smem:$0x3FB8];
	_ =	sdelay $0x3  }
0x37: {  	[smem:$0x3FB8] =	sst s10  }
0x38: {  	s10 =	sld [smem:$0x3FB9]  }
0x39: {  	_ = 	snop;
	(pc) =	sbr.ind lr, $3  }
0x3a: {  	_ = 	snop  }
0x3b: {  	_ = 	snop  }
0x3c: {  	p2 =	seq.s32 s10, $0x1;
	s10 =	sld [smem:$0x3FB8]  }
0x3d: {  	_ =	shalt  }
0x3e: {  	_ =	shalt  }
0x3f: {  	_ =	shalt  }
0x40: {  	_ =	shalt  }
0x41: {  	_ =	shalt  }
0x42: {  	_ =	shalt  }
0x43: {  	_ =	shalt  }
0x44: {  	_ =	shalt  }
0x45: {  	_ =	shalt  }
0x46: {  	_ =	shalt  }
0x47: {  	_ =	shalt  }
0x48: {  	_ =	shalt  }
0x49: {  	_ =	shalt  }
0x4a: {  	_ =	shalt  }
0x4b: {  	_ =	shalt  }
0x4c: {  	_ =	shalt  }
0x4d: {  	_ =	shalt  }
0x4e: {  	_ =	shalt  }
0x4f: {  	_ =	shalt  }
0x50: {  	_ =	shalt  }
0x51: {  	_ =	shalt  }
0x52: {  	_ =	shalt  }
0x53: {  	_ =	shalt  }
0x54: {  	_ =	shalt  }
0x55: {  	_ =	shalt  }
0x56: {  	_ =	shalt  }
0x57: {  	_ =	shalt  }
0x58: {  	_ =	shalt  }
0x59: {  	_ =	shalt  }
0x5a: {  	_ =	shalt  }
0x5b: {  	_ =	shalt  }
0x5c: {  	_ =	shalt  }
0x5d: {  	_ =	shalt  }
0x5e: {  	_ =	shalt  }
0x5f: {  	_ =	shalt  }
0x60: {  	_ =	shalt  }
0x61: {  	_ =	shalt  }
0x62: {  	_ =	shalt  }
0x63: {  	_ =	shalt  }
0x64: {  	_ =	shalt  }
0x65: {  	_ =	shalt  }
0x66: {  	_ =	shalt  }
0x67: {  	_ =	shalt  }
0x68: {  	_ =	shalt  }
0x69: {  	_ =	shalt  }
0x6a: {  	_ =	shalt  }
0x6b: {  	_ =	shalt  }
0x6c: {  	_ =	shalt  }
0x6d: {  	_ =	shalt  }
0x6e: {  	_ =	shalt  }
0x6f: {  	_ =	shalt  }
0x70: {  	_ =	shalt  }
0x71: {  	_ =	shalt  }
0x72: {  	_ =	shalt  }
0x73: {  	_ =	shalt  }
0x74: {  	_ =	shalt  }
0x75: {  	_ =	shalt  }
0x76: {  	_ =	shalt  }
0x77: {  	_ =	shalt  }
0x78: {  	_ =	shalt  }
0x79: {  	_ =	shalt  }
0x7a: {  	_ =	shalt  }
0x7b: {  	_ =	shalt  }
0x7c: {  	_ =	shalt  }
0x7d: {  	_ =	shalt  }
0x7e: {  	_ =	shalt  }
0x7f: {  	_ =	shalt  }
0x80: {  	_ =	shalt  }
0x81: {  	_ =	shalt  }
0x82: {  	_ =	shalt  }
0x83: {  	_ =	shalt  }
0x84: {  	_ =	shalt  }
0x85: {  	_ =	shalt  }
0x86: {  	_ =	shalt  }
0x87: {  	_ =	shalt  }
.Lfunc_end0:
.L_simem_size_0:
called_computation_lowered:
.L_overlay_start_0:
0x88: {  	s2 =	sld [smem:$0x3FD9]  }
0x89: {  	s3 =	sld [smem:$0x3FFE];
	_ =	sdelay $0x1  }
0x8a: {  	s1 =	srdreg.scid  }
0x8b: {  	s0 =	sand.u32 $0x1, s1  }
0x8c: {  	s14 =	sshll.u32 s0, $0xA;
	s2 =	sadd.s32 s3, s2  }
0x8d: {  	s2 =	sadd.s32 s2, s14  }
0x8e: {  	[smem:$0x3FC4] =	sst s2  }
0x8f: {  	_ = 	snop  }
0x90: {  	s2 =	sld [smem:$0x3FD0];
	_ =	sdelay $0x1  }
0x91: {  	s15 =	sld [smem:$0x3FC9]  }
0x92: {  	s5 =	simm.s32 $0xA;
	s6 =	simm.s32 $0x10;
	s4 =	sld [smem:$0x3FC8]  }
0x93: {  	[smem:s6], [sflag:s5] =	dma.local [hbm:s2], $0x1  }
0x94: {  	_ =	swait.eq [sflag:s5], $0x1  }
0x95: {  	s16 =	sld [smem:$0x10];
	[sflag:s5] =	ssyncset.done $0x0  }
0x96: {  	s17 =	sld [smem:$0x11];
	[sflag:s5] =	ssyncadd.s32 $0xFFFFFFFF  }
0x97: {  	s18 =	sld [smem:$0x12];
	(tm) =	ssettm $0x1  }
0x98: {  	s7 =	sld [smem:$0x3FFB];
	_ =	sdelay $0x3  }
0x99: {  	_ =	strace s7  }
0x9a: {  	s7 =	sld [smem:$0x3FFC];
	_ =	sdelay $0x3  }
0x9b: {  	_ =	strace s7  }
0x9c: {  	s7 =	sld [smem:$0x3FFD];
	_ =	sdelay $0x3  }
0x9d: {  	_ =	strace s7  }
0x9e: {  	_ =	strace $0x8FFFFFFF  }
0x9f: {  	s19 =	sld [smem:$0x3FDB];
	_ =	sdelay $0x1  }
0xa0: {  	s8 =	simm.s32 $_scs_section_size  }
0xa1: {  	s9 =	simm.s32 $_size__tile_overlayer_lowered;
	s10 =	simm.s32 $_tile_overlayer_lowered  }
0xa2: {  	s22 =	simm.s32 $0x1BFF;
	s21 =	sshll.u32 s10, $0x1;
	s7 =	sadd.s32 s8, s19  }
0xa3: {  	s11 =	simm.s32 $0x0;
	s20 =	sshll.u32 s9, $0x1;
	s9 =	sadd.s32 s21, s7  }
0xa4: {  	[timem:s11], [sflag:s22] =	dma.local [hbm:s9], s20  }
0xa5: {  	_ =	swait.ge [sflag:s22], s20  }
0xa6: {  	s8 =	ssub.s32 $0x0, s20;
	[sflag:s22] =	ssyncset.done $0x0  }
0xa7: {  	[sflag:s22] =	ssyncadd.s32 s8;
	_ =	sdelay $0x1  }
0xa8: {  	s23 =	simm.s32 $0x1B8B  }
0xa9: {  	_ =	swait.ge [sflag:s23], $0x1  }
0xaa: {  	[sflag:s23] =	ssyncset.done $0x0  }
0xab: {  	s25 =	simm.s32 $0x1B8E;
	s24 =	sld [smem:$0x3FFE];
	[sflag:s23] =	ssyncadd.s32 $0xFFFFFFFF  }
0xac: {  	s26 =	simm.s32 $execute0_lowered;
	[smem:$0x3FD2] =	sst s25  }
0xad: {  	s9 =	sshll.u32 s26, $0x1;
	_ =	strace $0x80000046;
	[dreg:$0x1] =	wrdreg $0xFFFFFFFF  }
0xae: {  	s28 =	simm.s32 $_size_execute0_lowered;
	s7 =	sadd.s32 s7, s9;
	[dreg:$0x0] =	wrdreg $0x0  }
0xaf: {  	s9 =	sshll.u32 s28, $0x1;
	[dreg:$0x2] =	wrdreg s7  }
0xb0: {  	[dreg:$0x3] =	wrdreg s9  }
0xb1: {  	[dreg:$0x4] =	wrdreg $0xC0  }
0xb2: {  	_ =	task [dreg:s11], $0x5FFFF  }
0xb3: {  	[dreg:$0x1] =	wrdreg $0xFFFFFFFF  }
0xb4: {  	[dreg:$0x0] =	wrdreg $0x60  }
0xb5: {  	[dreg:$0x2] =	wrdreg s15  }
0xb6: {  	[dreg:$0x3] =	wrdreg s4  }
0xb7: {  	[dreg:$0x4] =	wrdreg s18  }
0xb8: {  	[dreg:$0x5] =	wrdreg s24  }
0xb9: {  	[dreg:$0x6] =	wrdreg s16  }
0xba: {  	[dreg:$0x7] =	wrdreg s17  }
0xbb: {  	[dreg:$0x8] =	wrdreg $0x9  }
0xbc: {  	_ =	task.clear_ibuf [dreg:s11], $0x9FFFF;
	_ =	strace $0x90000046  }
0xbd: {  	s29 =	simm.s32 $0x9;
	_ =	strace $0x80000048  }
0xbe: {  	_ =	swait.ge [sflag:s29], $0x1  }
0xbf: {  	[sflag:s29] =	ssyncadd.s32 $0xFFFFFFFF  }
0xc0: {  	_ =	strace $0x90000048  }
0xc1: {  	_ =	sfence  }
0xc2: {  	s30 =	sld [smem:$0x0];
	_ =	sdelay $0x2  }
0xc3: {  	s31 =	sshll.u32 s1, $0xD;
	s1 =	sshrl.u32 s1, $0x2  }
0xc4: {  	s3 =	sand.u32 $0x4000, s31;
	s1 =	sadd.s32 s1, s30  }
0xc5: {  	s0 =	sor.u32 s3, s0;
	s1 =	sshll.u32 s1, $0x11  }
0xc6: {  	s0 =	sor.u32 s1, s0  }
0xc7: {  	s0 =	sadd.s32 $0x8F2B, s0  }
0xc8: {  	[sflag:s0] =	ssyncadd.remote.s32 $0x1  }
0xc9: {  	_ =	sfence.sel $0xFFFF  }
0xca: {  	[dreg:$0x0] =	wrdreg $0xFFFFFFFF;
	(pc) =	sbr.abs _section_cstart, $3  }
0xcb: {  	[dreg:$0x1] =	wrdreg $0xFFFFFFFF  }
0xcc: {  	_ =	task.clear_ibuf [dreg:s11], $0x2FFFF;
	_ =	strace $0x9FFFFFFF  }
0xcd: {  	(tm) =	ssettm $0x7FFFFFFF  }
tec
execute0_lowered:
.L_overlay_start_1:
0x0: {  	(tag) =	ssettag $0x1  }
0x1: {  	s1 =	rddreg [dreg:$0x0]  }
0x2: {  	s2 =	rddreg [dreg:$0x1]  }
0x3: {  	s7 =	rddreg [dreg:$0x5]  }
0x4: {  	s0 =	srdreg.scid;
	s11 =	stileid.u32;
	s8 =	simm.s32 $0x0  }
0x5: {  	s10 =	simm.s32 $0x9E;
	s17 =	simm.s32 $0x1C900;
	s18 =	simm.s32 $0x80  }
0x6: {  	s19 =	simm.s32 $0x400;
	s20 =	simm.s32 $0x1400;
	s21 =	simm.s32 $0x3B80  }
0x7: {  	s22 =	simm.s32 $0x6300;
	s23 =	simm.s32 $0x8A80;
	s29 =	simm.s32 $0x1  }
0x8: {  	s0 =	sand.u32 $0x1, s0;
	s3 =	sshll.u32 s11, $0x1;
	[smem:$0x7FF] =	sst s8  }
0x9: {  	p0 =	slt.u32 s11, $0x2;
	s25 =	smul.u32 $0x138, s11;
	s4 =	ssub.s32 $0x2, s0  }
0xa: {  	s3 =	sor.u32 s0, s3;
	_ =	strace $0x80000047;
	s0 =	smul.u32 $0x9C, s0  }
0xb: {  	v3 =	vimm.s32 $0x1387;
	vm0 =	vcmask $0x300;
	s5 =	sshrl.u32 s4, $0x1;
	s6 =	smul.u32 $0x9C, s3;
	s3 =	smin.u32 s3, $0x4  }
0xc: {  	v3 =	vsel vm0, $0x1380, v3;
	vm0 =	vcmask $0x704;
	s10 =	simm.s32 @!p0 $0x9C;
	s4 =	ssub.s32 s4, s5;
	s3 =	sshll.u32 s3, $0x1  }
0xd: {  	v6 =	vsel vm0, $0x1381, v3;
	vm0 =	vcmask $0xB08;
	s0 =	sadd.s32 s0, s25;
	s25 =	simm.s32 $0xD980;
	s5 =	simm.s32 $0x0  }
0xe: {  	v7 =	vlaneseq.u32;
	v6 =	vsel vm0, $0x1382, v6;
	vm0 =	vcmask $0xF0C;
	s9 =	sadd.s32 s6, s3;
	s4 =	smax.u32 s4, $0x1;
	s0 =	sadd.s32 s3, s0  }
0xf: {  	v7 =	vor.u32 $0x1380, v7;
	v6 =	vsel vm0, $0x1383, v6;
	vm0 =	vcmask $0x1310;
	s24 =	sor.u32 $0x1, s9;
	s26 =	sadd.s32 $0x2, s9;
	s12 =	sadd.s32 $0x3, s9  }
.Ltmp0:
0x10: {  	v6 =	vsel vm0, $0x1384, v6;
	vm0 =	vcmask $0x1714;
	v0 =	vmov s9;
	s14 =	sadd.s32 $0x4, s9;
	[dreg:$0xa] =	wrdreg s4;
	(pc) =	sbr.rel .LBB2_1-.Ltmp0, $4  }
0x11: {  	s15 =	sadd.s32 $0x5, s9;
	s28 =	sadd.s32 $0xB, s9;
	[dreg:$0xb] =	wrdreg s0;
	v6 =	vsel vm0, $0x1385, v6;
	vm0 =	vcmask $0x1B18;
	v0 =	vbroadcast v0, $0x0  }
0x12: {  	s30 =	sadd.s32 $0x7, s9;
	s31 =	sadd.s32 $0x9, s9;
	v1 =	vmov s24;
	[dreg:$0x9] =	wrdreg s28;
	v4 =	vmov s26;
	v2 =	vmov s12  }
0x13: {  	s0 =	simm.s32 $0x2;
	s4 =	simm.s32 $0x3;
	v5 =	vmov s14;
	v3 =	vmov s15;
	v6 =	vsel vm0, $0x1386, v6;
	[dreg:$0x7] =	wrdreg s30  }
0x14: {  	s24 =	simm.s32 $0xB200;
	s26 =	simm.s32 $0x7;
	vm0 =	vmmov $0xff;
	[dreg:$0x8] =	wrdreg s31;
	v4 =	vbroadcast v4, $0x0;
	v5 =	vbroadcast v5, $0x0  }
.LBB2_21:
0x15: {  	s5 =	rddreg [dreg:$0xc]  }
0x16: {  	s3 =	rddreg [dreg:$0xa];
	s5 =	sadd.s32 $0x1, s5  }
0x17: {  	p0 =	sne.s32 s5, s3  }
.Ltmp1:
0x18: {  	_ = 	snop;
	(pc) =	sbr.rel @!p0 .LBB2_22-.Ltmp1, $1  }
0x19: {  	_ =	sdelay $0x3  }
.LBB2_1:
0x1a: {  	[dreg:$0xc] =	wrdreg s5  }
0x1b: {  	s3 =	rddreg [dreg:$0x2];
	s12 =	simm.s32 $0x9  }
0x1c: {  	[tilespmem:s8], [sflag:$0x9] =	stream.linear.gather [hbm4b:s3+s8], $0x1400, $0x38;
	[tilespmem:$0x1DD00] =	vst v63  }
0x1d: {  	_ =	swait.ge [sflag:s12], $0x1400  }
0x1e: {  	[sflag:s12] =	ssyncset.done $0x0  }
0x1f: {  	[sflag:s12] =	ssyncadd.s32 $0xFFFFEC00  }
0x20: {  	s13 =	rddreg [dreg:$0x3]  }
0x21: {  	[tilespmem:s17], [sflag:$0x9] =	stream.linear.gather [hbm4b:s13+s8], $0x1400, $0x38;
	[tilespmem:$0x1DD00] =	vst v63  }
0x22: {  	_ =	swait.ge [sflag:s12], $0x1400  }
0x23: {  	[sflag:s12] =	ssyncset.done $0x0  }
0x24: {  	[sflag:s12] =	ssyncadd.s32 $0xFFFFEC00  }
0x25: {  	v8 =	vld.idx.msk [tilespmem:v0+s8+$0x0], $0xffff;
	_ =	sdelay $0x4  }
0x26: {  	v8 =	vxor.u32 $0x80000000, v8  }
0x27: {  	(xrf0) =	vmax.scan.msk.u32 $0xffff, v8;
	_ =	sdelay $0x5  }
0x28: {  	v8, _, _ =	vpop (xrf0)  }
0x29: {  	(v2sf) =	vpush v8, $0xF;
	_ =	sdelay $0xe  }
0x2a: {  	s14 =	spop (v2sf)  }
0x2b: {  	s15 =	sshrl.u32 s14, $0x3  }
0x2c: {  	s3 =	sshll.u32 s14, $0x7;
	s5 =	smul.u32 $0x13C00, s15  }
0x2d: {  	s3 =	sand.u32 $0x380, s3  }
0x2e: {  	s3 =	sor.u32 s3, s5  }
0x2f: {  	s3 =	sshrl.u32 s3, $0x3  }
0x30: {  	s3 =	sadd.s32 s1, s3  }
0x31: {  	[tilespmem:s20], [sflag:$0x1] =	stream.strided.gather [hbm4b:s3+s18], $0x2780, s19, s18, $0x38;
	[tilespmem:$0x1DD00] =	vst v63  }
0x32: {  	v8 =	vld.idx.msk [tilespmem:v1+s8+$0x0], $0xffff;
	_ =	sdelay $0x4  }
0x33: {  	v8 =	vxor.u32 $0x80000000, v8  }
0x34: {  	(xrf0) =	vmax.scan.msk.u32 $0xffff, v8;
	_ =	sdelay $0x5  }
0x35: {  	v8, _, _ =	vpop (xrf0)  }
0x36: {  	(v2sf) =	vpush v8, $0xF;
	_ =	sdelay $0xe  }
0x37: {  	s16 =	spop (v2sf)  }
0x38: {  	s28 =	sshrl.u32 s16, $0x3  }
0x39: {  	s3 =	sshll.u32 s16, $0x7;
	s5 =	smul.u32 $0x13C00, s28  }
0x3a: {  	s3 =	sand.u32 $0x380, s3  }
0x3b: {  	s3 =	sor.u32 s3, s5  }
0x3c: {  	s3 =	sshrl.u32 s3, $0x3  }
0x3d: {  	s3 =	sadd.s32 s1, s3  }
0x3e: {  	[tilespmem:s21], [sflag:$0x1] =	stream.strided.gather [hbm4b:s3+s18], $0x2780, s19, s18, $0x38;
	[tilespmem:$0x1DD00] =	vst v63  }
0x3f: {  	v8 =	vld.idx.msk [tilespmem:v4+s8+$0x0], $0xffff;
	_ =	sdelay $0x4  }
0x40: {  	v8 =	vxor.u32 $0x80000000, v8  }
0x41: {  	(xrf0) =	vmax.scan.msk.u32 $0xffff, v8;
	_ =	sdelay $0x5  }
0x42: {  	v8, _, _ =	vpop (xrf0)  }
0x43: {  	(v2sf) =	vpush v8, $0xF;
	_ =	sdelay $0xe  }
0x44: {  	s6 =	spop (v2sf)  }
0x45: {  	s11 =	sshrl.u32 s6, $0x3  }
0x46: {  	s3 =	sshll.u32 s6, $0x7;
	s5 =	smul.u32 $0x13C00, s11  }
0x47: {  	s3 =	sand.u32 $0x380, s3  }
0x48: {  	s3 =	sor.u32 s3, s5  }
0x49: {  	s3 =	sshrl.u32 s3, $0x3  }
0x4a: {  	s3 =	sadd.s32 s1, s3  }
0x4b: {  	[tilespmem:s22], [sflag:$0x2] =	stream.strided.gather [hbm4b:s3+s18], $0x2780, s19, s18, $0x38;
	[tilespmem:$0x1DD00] =	vst v63  }
0x4c: {  	v8 =	vld.idx.msk [tilespmem:v2+s8+$0x0], $0xffff;
	_ =	sdelay $0x4  }
0x4d: {  	v8 =	vxor.u32 $0x80000000, v8  }
0x4e: {  	(xrf0) =	vmax.scan.msk.u32 $0xffff, v8;
	_ =	sdelay $0x5  }
0x4f: {  	v8, _, _ =	vpop (xrf0)  }
0x50: {  	(v2sf) =	vpush v8, $0xF;
	_ =	sdelay $0xe  }
0x51: {  	s12 =	spop (v2sf)  }
0x52: {  	s13 =	sshrl.u32 s12, $0x3  }
0x53: {  	s3 =	sshll.u32 s12, $0x7;
	s5 =	smul.u32 $0x13C00, s13  }
0x54: {  	s3 =	sand.u32 $0x380, s3  }
0x55: {  	s3 =	sor.u32 s3, s5  }
0x56: {  	s3 =	sshrl.u32 s3, $0x3  }
0x57: {  	s3 =	sadd.s32 s1, s3  }
0x58: {  	[tilespmem:s23], [sflag:$0x2] =	stream.strided.gather [hbm4b:s3+s18], $0x2780, s19, s18, $0x38;
	[tilespmem:$0x1DD00] =	vst v63  }
0x59: {  	v8 =	vld.idx.msk [tilespmem:v5+s8+$0x0], $0xffff;
	_ =	sdelay $0x4  }
0x5a: {  	v8 =	vxor.u32 $0x80000000, v8  }
0x5b: {  	(xrf0) =	vmax.scan.msk.u32 $0xffff, v8;
	_ =	sdelay $0x5  }
0x5c: {  	v8, _, _ =	vpop (xrf0)  }
0x5d: {  	(v2sf) =	vpush v8, $0xF;
	_ =	sdelay $0xe  }
0x5e: {  	s14 =	spop (v2sf)  }
0x5f: {  	s15 =	sshrl.u32 s14, $0x3  }
0x60: {  	s3 =	sshll.u32 s14, $0x7;
	s5 =	smul.u32 $0x13C00, s15  }
0x61: {  	s3 =	sand.u32 $0x380, s3  }
0x62: {  	s3 =	sor.u32 s3, s5  }
0x63: {  	s3 =	sshrl.u32 s3, $0x3  }
0x64: {  	s3 =	sadd.s32 s1, s3  }
0x65: {  	[tilespmem:s24], [sflag:$0x3] =	stream.strided.gather [hbm4b:s3+s18], $0x2780, s19, s18, $0x38;
	[tilespmem:$0x1DD00] =	vst v63  }
0x66: {  	v8 =	vld.idx.msk [tilespmem:v3+s8+$0x0], $0xffff;
	_ =	sdelay $0x4  }
0x67: {  	v8 =	vxor.u32 $0x80000000, v8  }
0x68: {  	(xrf0) =	vmax.scan.msk.u32 $0xffff, v8;
	_ =	sdelay $0x5  }
0x69: {  	v8, _, _ =	vpop (xrf0)  }
0x6a: {  	(v2sf) =	vpush v8, $0xF;
	_ =	sdelay $0xe  }
0x6b: {  	s16 =	spop (v2sf)  }
0x6c: {  	s28 =	sshrl.u32 s16, $0x3  }
0x6d: {  	s3 =	sshll.u32 s16, $0x7;
	s5 =	smul.u32 $0x13C00, s28  }
0x6e: {  	s3 =	sand.u32 $0x380, s3  }
0x6f: {  	s3 =	sor.u32 s3, s5  }
0x70: {  	s31 =	simm.s32 $0x0;
	s30 =	rddreg [dreg:$0xb];
	s3 =	sshrl.u32 s3, $0x3  }
0x71: {  	s6 =	simm.s32 $0x17940;
	s16 =	simm.s32 $0x17900;
	s3 =	sadd.s32 s1, s3  }
0x72: {  	[tilespmem:s25], [sflag:$0x3] =	stream.strided.gather [hbm4b:s3+s18], $0x2780, s19, s18, $0x38;
	[tilespmem:$0x1DD00] =	vst v63  }
.LBB2_2:
0x73: {  	s3 =	sadd.s32 $0x0, s30  }
0x74: {  	p0 =	slt.s32 s3, $0x1387  }
0x75: {  	s3 =	simm.s32 @!p0 $0x1387  }
0x76: {  	v8 =	vmov s3;
	_ =	sdelay $0x3  }
0x77: {  	s14 =	simm.s32 $0x0  }
0x78: {  	v8 =	vld.idx.msk [tilespmem:v8+s14+$0x0], $0xffff;
	_ =	sdelay $0x4  }
0x79: {  	v8 =	vxor.u32 $0x80000000, v8  }
0x7a: {  	(xrf0) =	vmax.scan.msk.u32 $0xffff, v8  }
0x7b: {  	s3 =	sadd.s32 $0x1, s30  }
0x7c: {  	p0 =	slt.s32 s3, $0x1387  }
0x7d: {  	s3 =	simm.s32 @!p0 $0x1387  }
0x7e: {  	s5 =	sadd.s32 $0x2, s30;
	v8 =	vmov s3  }
0x7f: {  	p0 =	slt.s32 s5, $0x1387  }
0x80: {  	s5 =	simm.s32 @!p0 $0x1387;
	v9, _, _ =	vpop (xrf0)  }
0x81: {  	v10 =	vmov s5;
	(v2sf) =	vpush v9, $0xF;
	_ =	sdelay $0x1  }
0x82: {  	v8 =	vld.idx.msk [tilespmem:v8+s14+$0x0], $0xffff;
	_ =	sdelay $0x2  }
0x83: {  	v9 =	vld.idx.msk [tilespmem:v10+s14+$0x0], $0xffff  }
0x84: {  	s3 =	sadd.s32 $0x3, s30  }
0x85: {  	p0 =	slt.s32 s3, $0x1387;
	v8 =	vxor.u32 $0x80000000, v8  }
0x86: {  	s3 =	simm.s32 @!p0 $0x1387;
	(xrf0) =	vmax.scan.msk.u32 $0xffff, v8  }
0x87: {  	v10 =	vmov s3  }
0x88: {  	v8 =	vxor.u32 $0x80000000, v9  }
0x89: {  	(xrf0) =	vmax.scan.msk.u32 $0xffff, v8;
	_ =	sdelay $0x2  }
0x8a: {  	v8 =	vld.idx.msk [tilespmem:v10+s14+$0x0], $0xffff;
	v10, _, _ =	vpop (xrf0)  }
0x8b: {  	s3 =	sadd.s32 $0x4, s30;
	s12 =	spop (v2sf);
	(v2sf) =	vpush v10, $0xF  }
0x8c: {  	p0 =	slt.s32 s3, $0x1387  }
0x8d: {  	s3 =	simm.s32 @!p0 $0x1387;
	v11, _, _ =	vpop (xrf0)  }
0x8e: {  	v9 =	vmov s3;
	(v2sf) =	vpush v11, $0xF;
	_ =	sdelay $0x2  }
0x8f: {  	s11 =	sadd.s32 $0x5, s30;
	v10 =	vxor.u32 $0x80000000, v8  }
0x90: {  	p0 =	slt.s32 s11, $0x1387;
	(xrf0) =	vmax.scan.msk.u32 $0xffff, v10  }
0x91: {  	s11 =	simm.s32 @!p0 $0x1387;
	v8 =	vld.idx.msk [tilespmem:v9+s14+$0x0], $0xffff  }
0x92: {  	s15 =	sshll.u32 s31, $0x3;
	s28 =	smov.u32 s16;
	v9 =	vmov s11;
	s12 =	sshll.u32 s12, $0x4  }
0x93: {  	s5 =	sadd.s32 s9, s15;
	s15 =	simm.s32 $0x6;
	s12 =	sand.u32 $0x1FFFFFF0, s12  }
0x94: {  	s3 =	simm.s32 $0x3;
	s11 =	sadd.s32 $0x80, s16;
	s12 =	sadd.s32 s2, s12  }
.LBB2_3:
0x95: {  	[tilespmem:s28], [sflag:$0x7] =	stream.linear.gather [hbm4b:s12+s14], $0x80, $0x38;
	[tilespmem:$0x1DD00] =	vst v63  }
0x96: {  	s12 =	sadd.s32 s15, s30;
	p0 =	sne.s32 s15, $0x7;
	s15 =	sadd.s32 $0x1, s15;
	v10 =	vxor.u32 $0x80000000, v8;
	v11, _, _ =	vpop (xrf0)  }
.Ltmp2:
0x97: {  	s28 =	smov.u32 s11;
	p1 =	slt.s32 s12, $0x1387;
	v8 =	vld.idx.msk [tilespmem:v9+s14+$0x0], $0xffff;
	(xrf0) =	vmax.scan.msk.u32 $0xffff, v10;
	(v2sf) =	vpush v11, $0xF;
	(pc) =	sbr.rel @p0 .LBB2_3-.Ltmp2, $4  }
0x98: {  	s12 =	simm.s32 @!p1 $0x1387;
	s13 =	spop (v2sf)  }
0x99: {  	v9 =	vmov s12;
	s12 =	sshll.u32 s13, $0x4  }
0x9a: {  	s12 =	sand.u32 $0x1FFFFFF0, s12  }
0x9b: {  	s11 =	sadd.s32 $0x80, s11;
	s12 =	sadd.s32 s2, s12  }
0x9c: {  	_ =	sdelay $0x3  }
0x9d: {  	v8 =	vxor.u32 $0x80000000, v8;
	v9 =	vld.idx.msk [tilespmem:v9+s14+$0x0], $0xffff;
	_ =	sdelay $0x1  }
0x9e: {  	(xrf0) =	vmax.scan.msk.u32 $0xffff, v8  }
0x9f: {  	v8, _, _ =	vpop (xrf0)  }
0xa0: {  	(v2sf) =	vpush v8, $0xF  }
0xa1: {  	v8 =	vxor.u32 $0x80000000, v9;
	_ =	sdelay $0x1  }
0xa2: {  	(xrf0) =	vmax.scan.msk.u32 $0xffff, v8  }
0xa3: {  	[tilespmem:s28], [sflag:$0x7] =	stream.linear.gather [hbm4b:s12+s14], $0x80, $0x38;
	v8, _, _ =	vpop (xrf0);
	[tilespmem:$0x1DD00] =	vst v63  }
0xa4: {  	s13 =	spop (v2sf);
	(v2sf) =	vpush v8, $0xF  }
0xa5: {  	s12 =	sshll.u32 s13, $0x4  }
0xa6: {  	s12 =	sand.u32 $0x1FFFFFF0, s12  }
0xa7: {  	s12 =	sadd.s32 s2, s12  }
0xa8: {  	[tilespmem:s11], [sflag:$0x7] =	stream.linear.gather [hbm4b:s12+s14], $0x80, $0x38;
	v8, _, _ =	vpop (xrf0);
	[tilespmem:$0x1DD00] =	vst v63  }
0xa9: {  	s15 =	spop (v2sf);
	(v2sf) =	vpush v8, $0xF  }
0xaa: {  	s12 =	sshll.u32 s15, $0x4  }
0xab: {  	s12 =	sand.u32 $0x1FFFFFF0, s12  }
0xac: {  	s13 =	sadd.s32 $0x80, s11;
	s12 =	sadd.s32 s2, s12  }
0xad: {  	[tilespmem:s13], [sflag:$0x7] =	stream.linear.gather [hbm4b:s12+s14], $0x80, $0x38;
	[tilespmem:$0x1DD00] =	vst v63  }
0xae: {  	s15 =	spop (v2sf)  }
0xaf: {  	s12 =	sshll.u32 s15, $0x4  }
0xb0: {  	s12 =	sand.u32 $0x1FFFFFF0, s12  }
0xb1: {  	s11 =	sadd.s32 $0x80, s13;
	s12 =	sadd.s32 s2, s12  }
0xb2: {  	[tilespmem:s11], [sflag:$0x7] =	stream.linear.gather [hbm4b:s12+s14], $0x80, $0x38;
	[tilespmem:$0x1DD00] =	vst v63  }
0xb3: {  	s13 =	spop (v2sf)  }
0xb4: {  	s12 =	sshll.u32 s13, $0x4  }
0xb5: {  	s12 =	sand.u32 $0x1FFFFFF0, s12  }
0xb6: {  	s11 =	sadd.s32 $0x80, s11;
	s12 =	sadd.s32 s2, s12  }
0xb7: {  	[tilespmem:s11], [sflag:$0x7] =	stream.linear.gather [hbm4b:s12+s14], $0x80, $0x38;
	[tilespmem:$0x1DD00] =	vst v63  }
0xb8: {  	s15 =	spop (v2sf)  }
0xb9: {  	s13 =	sadd.s32 $0x0, s30;
	s12 =	sshll.u32 s15, $0x4  }
0xba: {  	p0 =	slt.s32 s13, $0x1387;
	s12 =	sand.u32 $0x1FFFFFF0, s12  }
0xbb: {  	s13 =	simm.s32 @!p0 $0x1387;
	s11 =	sadd.s32 $0x80, s11;
	s12 =	sadd.s32 s2, s12  }
0xbc: {  	v8 =	vmov s13;
	[tilespmem:s11], [sflag:$0x7] =	stream.linear.gather [hbm4b:s12+s14], $0x80, $0x38;
	[tilespmem:$0x1DD00] =	vst v63  }
0xbd: {  	_ =	swait.ge [sflag:s26], $0x80  }
0xbe: {  	[sflag:s26] =	ssyncset.done $0x0  }
0xbf: {  	[sflag:s26] =	ssyncadd.s32 $0xFFFFFF80  }
0xc0: {  	v12 =	vld [tilespmem:s6+$0x30]  }
0xc1: {  	v10 =	vld.idx.msk [tilespmem:v8+s17+$0x0], $0xffff  }
0xc2: {  	v11 =	vld [tilespmem:s6+$0xFFFFFFF0]  }
0xc3: {  	s11 =	sadd.s32 $0x1, s30;
	s12 =	sadd.s32 $0x2, s30;
	v15 =	vld [tilespmem:s6+$0x20]  }
0xc4: {  	s15 =	sadd.s32 $0x80, s6;
	p0 =	slt.s32 s11, $0x1387;
	p1 =	slt.s32 s12, $0x1387;
	v13 =	vld [tilespmem:s6+$0x0]  }
0xc5: {  	s14 =	sadd.s32 $0x80, s15;
	s11 =	simm.s32 @!p0 $0x1387;
	s12 =	simm.s32 @!p1 $0x1387;
	v14 =	vld [tilespmem:s6+$0x10]  }
0xc6: {  	s28 =	smov.u32 s6;
	v9 =	vmov s11;
	s11 =	smov.u32 s14;
	v8 =	vmov s12;
	v16 =	vld [tilespmem:s6+$0xFFFFFFE0]  }
.LBB2_5:
0xc7: {  	p0 =	sne.s32 s3, $0x7  }
0xc8: {  	s14 =	sadd.s32 $0x80, s14;
	v17 =	vld [tilespmem:s28+$0xFFFFFFC0];
	s12 =	smov.u32 s3;
	s3 =	sadd.s32 $0x1, s3  }
0xc9: {  	v18 =	vld [tilespmem:s28+$0xFFFFFFD0];
	v15 =	vmul.f32 v15, v10;
	_ =	sdelay $0x1  }
0xca: {  	v12 =	vmul.f32 v12, v10;
	[tilespmem:s28+$0x20] =	vst v15  }
0xcb: {  	v13 =	vmul.f32 v13, v10;
	v14 =	vmul.f32 v14, v10  }
0xcc: {  	v11 =	vmul.f32 v11, v10;
	v15 =	vmul.f32 v16, v10;
	[tilespmem:s28+$0x30] =	vst v12  }
0xcd: {  	s12 =	sadd.s32 s12, s30;
	v12 =	vmul.f32 v17, v10;
	v10 =	vmul.f32 v18, v10;
	[tilespmem:s28+$0x0] =	vst v13  }
0xce: {  	p1 =	slt.s32 s12, $0x1387;
	[tilespmem:s28+$0x10] =	vst v14  }
0xcf: {  	s12 =	simm.s32 @!p1 $0x1387;
	[tilespmem:s28+$0xFFFFFFE0] =	vst v15  }
0xd0: {  	v13 =	vmov s12;
	[tilespmem:s28+$0xFFFFFFF0] =	vst v11  }
0xd1: {  	[tilespmem:s28+$0xFFFFFFC0] =	vst v12  }
0xd2: {  	[tilespmem:s28+$0xFFFFFFD0] =	vst v10;
	s28 =	smov.u32 s15;
	s15 =	smov.u32 s11;
	s11 =	smov.u32 s14  }
0xd3: {  	_ =	swait.ge [sflag:s26], $0x80  }
0xd4: {  	[sflag:s26] =	ssyncset.done $0x0  }
0xd5: {  	[sflag:s26] =	ssyncadd.s32 $0xFFFFFF80  }
0xd6: {  	v12 =	vld [tilespmem:s28+$0x30]  }
0xd7: {  	v10 =	vld.idx.msk [tilespmem:v9+s17+$0x0], $0xffff;
	v9 =	vmov v8;
	v8 =	vmov v13  }
.Ltmp3:
0xd8: {  	v11 =	vld [tilespmem:s28+$0xFFFFFFF0];
	(pc) =	sbr.rel @p0 .LBB2_5-.Ltmp3, $4  }
0xd9: {  	v15 =	vld [tilespmem:s28+$0x20]  }
0xda: {  	v13 =	vld [tilespmem:s28+$0x0]  }
0xdb: {  	v14 =	vld [tilespmem:s28+$0x10]  }
0xdc: {  	v16 =	vld [tilespmem:s28+$0xFFFFFFE0]  }
0xdd: {  	v12 =	vmul.f32 v12, v10  }
0xde: {  	v17 =	vld [tilespmem:s28+$0xFFFFFFC0];
	v11 =	vmul.f32 v11, v10  }
0xdf: {  	v18 =	vld [tilespmem:s28+$0xFFFFFFD0];
	v15 =	vmul.f32 v15, v10;
	[tilespmem:s28+$0x30] =	vst v12  }
0xe0: {  	v13 =	vmul.f32 v13, v10;
	[tilespmem:s28+$0xFFFFFFF0] =	vst v11  }
0xe1: {  	[tilespmem:s28+$0x20] =	vst v15;
	v14 =	vmul.f32 v14, v10  }
0xe2: {  	v35 =	vmul.f32 v16, v10;
	[tilespmem:s28+$0x0] =	vst v13  }
0xe3: {  	[tilespmem:s28+$0x10] =	vst v14;
	v36 =	vmul.f32 v17, v10  }
0xe4: {  	v37 =	vmul.f32 v18, v10;
	[tilespmem:s28+$0xFFFFFFE0] =	vst v35  }
0xe5: {  	[tilespmem:s28+$0xFFFFFFC0] =	vst v36  }
0xe6: {  	[tilespmem:s28+$0xFFFFFFD0] =	vst v37  }
0xe7: {  	_ =	swait.ge [sflag:s26], $0x80  }
0xe8: {  	[sflag:s26] =	ssyncset.done $0x0  }
0xe9: {  	[sflag:s26] =	ssyncadd.s32 $0xFFFFFF80  }
0xea: {  	v9 =	vld.idx.msk [tilespmem:v9+s17+$0x0], $0xffff  }
0xeb: {  	v38 =	vld [tilespmem:s15+$0x20]  }
0xec: {  	v39 =	vld [tilespmem:s15+$0x30]  }
0xed: {  	v40 =	vld [tilespmem:s15+$0x0]  }
0xee: {  	v41 =	vld [tilespmem:s15+$0x10]  }
0xef: {  	v42 =	vld [tilespmem:s15+$0xFFFFFFE0]  }
0xf0: {  	v43 =	vld [tilespmem:s15+$0xFFFFFFF0];
	v10 =	vmul.f32 v38, v9  }
0xf1: {  	v44 =	vld [tilespmem:s15+$0xFFFFFFC0];
	v11 =	vmul.f32 v39, v9  }
0xf2: {  	v45 =	vld [tilespmem:s15+$0xFFFFFFD0];
	v46 =	vmul.f32 v40, v9;
	[tilespmem:s15+$0x20] =	vst v10  }
0xf3: {  	v47 =	vmul.f32 v41, v9;
	[tilespmem:s15+$0x30] =	vst v11  }
0xf4: {  	v48 =	vmul.f32 v42, v9;
	[tilespmem:s15+$0x0] =	vst v46  }
0xf5: {  	v49 =	vmul.f32 v43, v9;
	[tilespmem:s15+$0x10] =	vst v47  }
0xf6: {  	v50 =	vmul.f32 v44, v9;
	[tilespmem:s15+$0xFFFFFFE0] =	vst v48  }
0xf7: {  	v9 =	vmul.f32 v45, v9;
	[tilespmem:s15+$0xFFFFFFF0] =	vst v49  }
0xf8: {  	[tilespmem:s15+$0xFFFFFFC0] =	vst v50  }
0xf9: {  	[tilespmem:s15+$0xFFFFFFD0] =	vst v9  }
0xfa: {  	_ =	swait.ge [sflag:s26], $0x80  }
0xfb: {  	[sflag:s26] =	ssyncset.done $0x0  }
0xfc: {  	[sflag:s26] =	ssyncadd.s32 $0xFFFFFF80  }
0xfd: {  	v8 =	vld.idx.msk [tilespmem:v8+s17+$0x0], $0xffff  }
0xfe: {  	v51 =	vld [tilespmem:s11+$0x20]  }
0xff: {  	v52 =	vld [tilespmem:s11+$0x30]  }
0x100: {  	v53 =	vld [tilespmem:s11+$0x0]  }
0x101: {  	v54 =	vld [tilespmem:s11+$0x10]  }
0x102: {  	v55 =	vld [tilespmem:s11+$0xFFFFFFE0]  }
0x103: {  	v56 =	vld [tilespmem:s11+$0xFFFFFFF0];
	v9 =	vmul.f32 v51, v8  }
0x104: {  	v57 =	vld [tilespmem:s11+$0xFFFFFFC0];
	v10 =	vmul.f32 v52, v8  }
0x105: {  	v58 =	vld [tilespmem:s11+$0xFFFFFFD0];
	v59 =	vmul.f32 v53, v8;
	[tilespmem:s11+$0x20] =	vst v9  }
0x106: {  	v60 =	vmul.f32 v54, v8;
	[tilespmem:s11+$0x30] =	vst v10  }
0x107: {  	v61 =	vmul.f32 v55, v8;
	[tilespmem:s11+$0x0] =	vst v59  }
0x108: {  	v62 =	vmul.f32 v56, v8;
	[tilespmem:s11+$0x10] =	vst v60  }
0x109: {  	v63 =	vmul.f32 v57, v8;
	[tilespmem:s11+$0xFFFFFFE0] =	vst v61  }
0x10a: {  	v8 =	vmul.f32 v58, v8;
	[tilespmem:s11+$0xFFFFFFF0] =	vst v62  }
0x10b: {  	p0 =	seq.s32 s31, $0x0;
	[tilespmem:s11+$0xFFFFFFC0] =	vst v63  }
0x10c: {  	s3 =	simm.s32 @!p0 $0x8;
	[tilespmem:s11+$0xFFFFFFD0] =	vst v8  }
0x10d: {  	_ =	swait.ge @!p0 [sflag:s3], $0x80  }
0x10e: {  	[sflag:s3] =	ssyncset.done @!p0 $0x0  }
0x10f: {  	[sflag:s3] =	ssyncadd.s32 @!p0 $0xFFFFFF80  }
0x110: {  	_ =	swait.ge @!p0 [sflag:s3], $0x80  }
0x111: {  	[sflag:s3] =	ssyncset.done @!p0 $0x0  }
0x112: {  	[sflag:s3] =	ssyncadd.s32 @!p0 $0xFFFFFF80  }
0x113: {  	_ =	swait.ge @!p0 [sflag:s3], $0x80  }
0x114: {  	[sflag:s3] =	ssyncset.done @!p0 $0x0  }
0x115: {  	[sflag:s3] =	ssyncadd.s32 @!p0 $0xFFFFFF80  }
0x116: {  	_ =	swait.ge @!p0 [sflag:s3], $0x80  }
0x117: {  	[sflag:s3] =	ssyncset.done @!p0 $0x0  }
0x118: {  	[sflag:s3] =	ssyncadd.s32 @!p0 $0xFFFFFF80  }
0x119: {  	_ =	swait.ge @!p0 [sflag:s3], $0x80  }
0x11a: {  	[sflag:s3] =	ssyncset.done @!p0 $0x0  }
0x11b: {  	[sflag:s3] =	ssyncadd.s32 @!p0 $0xFFFFFF80  }
0x11c: {  	_ =	swait.ge @!p0 [sflag:s3], $0x80  }
0x11d: {  	[sflag:s3] =	ssyncset.done @!p0 $0x0  }
0x11e: {  	[sflag:s3] =	ssyncadd.s32 @!p0 $0xFFFFFF80  }
0x11f: {  	_ =	swait.ge @!p0 [sflag:s3], $0x80  }
0x120: {  	[sflag:s3] =	ssyncset.done @!p0 $0x0  }
0x121: {  	[sflag:s3] =	ssyncadd.s32 @!p0 $0xFFFFFF80  }
0x122: {  	s12 =	sshll.u32 s31, $0xC;
	s11 =	sshll.u32 s5, $0x4;
	_ =	swait.ge @!p0 [sflag:s3], $0x80  }
0x123: {  	s12 =	sshra.s32 s12, $0x2;
	s13 =	sand.u32 $0xFFFFFE0, s11;
	[sflag:s3] =	ssyncset.done @!p0 $0x0  }
0x124: {  	s15 =	sadd.s32 $0x17900, s12;
	s14 =	sadd.s32 s7, s13;
	[sflag:s3] =	ssyncadd.s32 @!p0 $0xFFFFFF80  }
0x125: {  	[hbm4b:s14+s8] =	stream.linear.scatter [tilespmem:s15], [sflag:$0x8], $0x80, $0x38;
	[tilespmem:$0x1DD00] =	vst v63  }
0x126: {  	s28 =	sadd.s32 $0x17980, s12;
	s13 =	sadd.s32 $0x20, s11;
	s3 =	sadd.s32 $0x10, s14  }
0x127: {  	[hbm4b:s3+s8] =	stream.linear.scatter [tilespmem:s28], [sflag:$0x8], $0x80, $0x38;
	[tilespmem:$0x1DD00] =	vst v63  }
0x128: {  	s3 =	sand.u32 $0xFFFFFE0, s13  }
0x129: {  	s14 =	sadd.s32 $0x17A00, s12;
	s15 =	sadd.s32 $0x30, s11;
	s3 =	sadd.s32 s7, s3  }
0x12a: {  	[hbm4b:s3+s8] =	stream.linear.scatter [tilespmem:s14], [sflag:$0x8], $0x80, $0x38;
	[tilespmem:$0x1DD00] =	vst v63  }
0x12b: {  	s3 =	sand.u32 $0xFFFFFF0, s15  }
0x12c: {  	s28 =	sadd.s32 $0x17A80, s12;
	s13 =	smin.u32 s5, $0x1383;
	s3 =	sadd.s32 s7, s3  }
0x12d: {  	[hbm4b:s3+s8] =	stream.linear.scatter [tilespmem:s28], [sflag:$0x8], $0x80, $0x38;
	[tilespmem:$0x1DD00] =	vst v63  }
0x12e: {  	s3 =	sshll.u32 s13, $0x4  }
0x12f: {  	s3 =	sadd.s32 s7, s3  }
0x130: {  	s14 =	sadd.s32 $0x17B00, s12;
	s15 =	smin.u32 s5, $0x1382;
	s3 =	sadd.s32 $0x40, s3  }
0x131: {  	[hbm4b:s3+s8] =	stream.linear.scatter [tilespmem:s14], [sflag:$0x8], $0x80, $0x38;
	[tilespmem:$0x1DD00] =	vst v63  }
0x132: {  	s3 =	sshll.u32 s15, $0x4  }
0x133: {  	s3 =	sadd.s32 s7, s3  }
0x134: {  	s28 =	sadd.s32 $0x17B80, s12;
	s13 =	smin.u32 s5, $0x1381;
	s3 =	sadd.s32 $0x50, s3  }
0x135: {  	[hbm4b:s3+s8] =	stream.linear.scatter [tilespmem:s28], [sflag:$0x8], $0x80, $0x38;
	[tilespmem:$0x1DD00] =	vst v63  }
0x136: {  	s3 =	sshll.u32 s13, $0x4  }
0x137: {  	s31 =	sadd.s32 $0x1, s31;
	s3 =	sadd.s32 s7, s3  }
0x138: {  	p0 =	sne.s32 s31, $0x14;
	s14 =	sadd.s32 $0x17C00, s12;
	s3 =	sadd.s32 $0x60, s3  }
0x139: {  	[hbm4b:s3+s8] =	stream.linear.scatter [tilespmem:s14], [sflag:$0x8], $0x80, $0x38;
	[tilespmem:$0x1DD00] =	vst v63  }
.Ltmp4:
0x13a: {  	s15 =	smin.u32 s5, $0x1380;
	(pc) =	sbr.rel @p0 .LBB2_2-.Ltmp4, $4  }
0x13b: {  	s3 =	sshll.u32 s15, $0x4  }
0x13c: {  	s30 =	sadd.s32 $0x8, s30;
	s16 =	sadd.s32 $0x400, s16;
	s3 =	sadd.s32 s7, s3  }
0x13d: {  	s6 =	sadd.s32 $0x400, s6;
	s28 =	sadd.s32 $0x17C80, s12;
	s3 =	sadd.s32 $0x70, s3  }
0x13e: {  	[hbm4b:s3+s8] =	stream.linear.scatter [tilespmem:s28], [sflag:$0x8], $0x80, $0x38;
	[tilespmem:$0x1DD00] =	vst v63  }
0x13f: {  	s3 =	simm.s32 $0x8  }
0x140: {  	_ =	swait.ge [sflag:s3], $0x80  }
0x141: {  	[sflag:s3] =	ssyncset.done $0x0  }
0x142: {  	[sflag:s3] =	ssyncadd.s32 $0xFFFFFF80  }
0x143: {  	_ =	swait.ge [sflag:s3], $0x80  }
0x144: {  	[sflag:s3] =	ssyncset.done $0x0  }
0x145: {  	[sflag:s3] =	ssyncadd.s32 $0xFFFFFF80  }
0x146: {  	_ =	swait.ge [sflag:s3], $0x80  }
0x147: {  	[sflag:s3] =	ssyncset.done $0x0  }
0x148: {  	[sflag:s3] =	ssyncadd.s32 $0xFFFFFF80  }
0x149: {  	_ =	swait.ge [sflag:s3], $0x80  }
0x14a: {  	[sflag:s3] =	ssyncset.done $0x0  }
0x14b: {  	[sflag:s3] =	ssyncadd.s32 $0xFFFFFF80  }
0x14c: {  	_ =	swait.ge [sflag:s3], $0x80  }
0x14d: {  	[sflag:s3] =	ssyncset.done $0x0  }
0x14e: {  	[sflag:s3] =	ssyncadd.s32 $0xFFFFFF80  }
0x14f: {  	_ =	swait.ge [sflag:s3], $0x80  }
0x150: {  	[sflag:s3] =	ssyncset.done $0x0  }
0x151: {  	[sflag:s3] =	ssyncadd.s32 $0xFFFFFF80  }
0x152: {  	_ =	swait.ge [sflag:s3], $0x80  }
0x153: {  	[sflag:s3] =	ssyncset.done $0x0  }
0x154: {  	[sflag:s3] =	ssyncadd.s32 $0xFFFFFF80  }
.Ltmp5:
0x155: {  	_ =	swait.ge [sflag:s3], $0x80;
	(pc) =	sbr.rel .LBB2_8-.Ltmp5, $4  }
0x156: {  	s30 =	rddreg [dreg:$0x7]  }
0x157: {  	[sflag:s3] =	ssyncset.done $0x0;
	s31 =	rddreg [dreg:$0x8]  }
0x158: {  	s15 =	rddreg [dreg:$0x9];
	[sflag:s3] =	ssyncadd.s32 $0xFFFFFF80  }
0x159: {  	s16 =	simm.s32 $0x0;
	s13 =	rddreg [dreg:$0x4]  }
.LBB2_20:
0x15a: {  	s3 =	sadd.s32 $0xA, s28  }
0x15b: {  	p0 =	sge.u32 s3, s10  }
0x15c: {  	s3 =	sadd.s32 @!p0 s9, s3  }
0x15d: {  	v8 =	vmov @!p0 s3  }
0x15e: {  	v8 =	vand.u32 @!p0 $0xFFFFFFFE, v8  }
0x15f: {  	v8 =	vbroadcast @!p0 v8, $0x0;
	_ =	sdelay $0x4  }
0x160: {  	s3 =	simm.s32 @!p0 $0x0  }
0x161: {  	v8 =	vld.idx.msk @!p0 [tilespmem:v8+s3+$0x0], $0xffff;
	_ =	sdelay $0x4  }
0x162: {  	v8 =	vxor.u32 @!p0 $0x80000000, v8  }
0x163: {  	(xrf0) =	vmax.scan.msk.u32 @!p0 $0xffff, v8;
	_ =	sdelay $0x5  }
0x164: {  	v8, _, _ =	vpop @!p0 (xrf0)  }
0x165: {  	(v2sf) =	vpush @!p0 v8, $0xF;
	_ =	sdelay $0xe  }
0x166: {  	s5 =	spop @!p0 (v2sf)  }
0x167: {  	s6 =	sshrl.u32 @!p0 s5, $0x3  }
0x168: {  	s11 =	sadd.s32 @!p0 s28, s15;
	s5 =	sshll.u32 @!p0 s5, $0x7;
	s6 =	smul.u32 @!p0 $0x13C00, s6  }
0x169: {  	v8 =	vmov @!p0 s11;
	s5 =	sand.u32 @!p0 $0x380, s5  }
0x16a: {  	s5 =	sor.u32 @!p0 s5, s6  }
0x16b: {  	s12 =	simm.s32 @!p0 $0xB200;
	s5 =	sshrl.u32 @!p0 s5, $0x3  }
0x16c: {  	s11 =	simm.s32 @!p0 $0x400;
	s6 =	simm.s32 @!p0 $0x80;
	s5 =	sadd.s32 @!p0 s1, s5  }
0x16d: {  	[tilespmem:s12], [sflag:$0x3] =	stream.strided.gather @!p0 [hbm4b:s5+s6], $0x2780, s11, s6, $0x38;
	[tilespmem:$0x1DD00] =	vst v63  }
0x16e: {  	v8 =	vld.idx.msk @!p0 [tilespmem:v8+s3+$0x0], $0xffff;
	_ =	sdelay $0x4  }
0x16f: {  	v8 =	vxor.u32 @!p0 $0x80000000, v8  }
0x170: {  	(xrf0) =	vmax.scan.msk.u32 @!p0 $0xffff, v8;
	_ =	sdelay $0x5  }
0x171: {  	v8, _, _ =	vpop @!p0 (xrf0)  }
0x172: {  	(v2sf) =	vpush @!p0 v8, $0xF;
	_ =	sdelay $0xe  }
0x173: {  	s3 =	spop @!p0 (v2sf)  }
0x174: {  	s5 =	sshrl.u32 @!p0 s3, $0x3  }
0x175: {  	s3 =	sshll.u32 @!p0 s3, $0x7;
	s5 =	smul.u32 @!p0 $0x13C00, s5  }
0x176: {  	s3 =	sand.u32 @!p0 $0x380, s3  }
0x177: {  	s3 =	sor.u32 @!p0 s3, s5  }
0x178: {  	s3 =	sshrl.u32 @!p0 s3, $0x3  }
0x179: {  	s5 =	simm.s32 @!p0 $0xD980;
	s3 =	sadd.s32 @!p0 s1, s3  }
0x17a: {  	[tilespmem:s5], [sflag:$0x3] =	stream.strided.gather @!p0 [hbm4b:s3+s6], $0x2780, s11, s6, $0x38;
	[tilespmem:$0x1DD00] =	vst v63  }
0x17b: {  	s16 =	sadd.s32 $0x1, s16;
	s3 =	simm.s32 @!p1 $0x6  }
0x17c: {  	p0 =	sne.s32 s16, $0x1B;
	_ =	swait.ge @!p1 [sflag:s3], $0x1400  }
.Ltmp6:
0x17d: {  	[sflag:s3] =	ssyncset.done @!p1 $0x0;
	(pc) =	sbr.rel @!p0 .LBB2_21-.Ltmp6, $4  }
0x17e: {  	[sflag:s3] =	ssyncadd.s32 @!p1 $0xFFFFEC00  }
0x17f: {  	_ =	swait.ge @!p1 [sflag:s3], $0x1400  }
0x180: {  	[sflag:s3] =	ssyncset.done @!p1 $0x0  }
0x181: {  	[sflag:s3] =	ssyncadd.s32 @!p1 $0xFFFFEC00  }
.LBB2_8:
0x182: {  	s28 =	smul.u32 $0x6, s16;
	_ =	sdelay $0x1  }
0x183: {  	p1 =	sge.u32 s28, s10  }
.Ltmp7:
0x184: {  	_ = 	snop;
	(pc) =	sbr.rel @p1 .LBB2_12-.Ltmp7, $1  }
0x185: {  	_ =	sdelay $0x3  }
0x186: {  	_ =	swait.ge [sflag:s29], $0x2780  }
0x187: {  	[sflag:s29] =	ssyncset.done $0x0  }
0x188: {  	[sflag:s29] =	ssyncadd.s32 $0xFFFFD880  }
0x189: {  	_ =	swait.ge [sflag:s29], $0x2780  }
0x18a: {  	[sflag:s29] =	ssyncset.done $0x0  }
0x18b: {  	s3 =	simm.s32 $0x40;
	[sflag:s29] =	ssyncadd.s32 $0xFFFFD880  }
0x18c: {  	v8 =	vld [tilespmem:s3+$0x30]  }
0x18d: {  	v9 =	vld [tilespmem:s3+$0xFFFFFFD0]  }
0x18e: {  	v10 =	vld [tilespmem:s3+$0xFFFFFFE0]  }
0x18f: {  	v11 =	vld [tilespmem:s3+$0xFFFFFFF0]  }
0x190: {  	v12 =	vld [tilespmem:s3+$0x0]  }
0x191: {  	v13 =	vld [tilespmem:s3+$0x10]  }
0x192: {  	v14 =	vld [tilespmem:s3+$0x20]  }
0x193: {  	v15 =	vld [tilespmem:s3+$0xFFFFFFC0]  }
0x194: {  	v16 =	vld.idx.msk [tilespmem:v8+s20+$0x0], $0xffff  }
0x195: {  	v17 =	vld.idx.msk [tilespmem:v9+s20+$0x0], $0xffff  }
0x196: {  	v18 =	vld.idx.msk [tilespmem:v10+s20+$0x0], $0xffff  }
0x197: {  	v19 =	vld.idx.msk [tilespmem:v11+s20+$0x0], $0xffff  }
0x198: {  	v20 =	vld.idx.msk [tilespmem:v12+s20+$0x0], $0xffff  }
0x199: {  	s3 =	simm.s32 $0x10140;
	v21 =	vld.idx.msk [tilespmem:v13+s20+$0x0], $0xffff  }
0x19a: {  	v22 =	vld.idx.msk [tilespmem:v14+s20+$0x0], $0xffff;
	[tilespmem:s3+$0x30] =	vst v16  }
0x19b: {  	v62 =	vld.idx.msk [tilespmem:v15+s20+$0x0], $0xffff;
	[tilespmem:s3+$0xFFFFFFD0] =	vst v17  }
0x19c: {  	[tilespmem:s3+$0xFFFFFFE0] =	vst v18;
	v16 =	vld.idx.msk [tilespmem:v8+s21+$0x0], $0xffff  }
0x19d: {  	[tilespmem:s3+$0xFFFFFFF0] =	vst v19;
	v63 =	vld.idx.msk [tilespmem:v9+s21+$0x0], $0xffff  }
0x19e: {  	[tilespmem:s3+$0x0] =	vst v20;
	v8 =	vld.idx.msk [tilespmem:v10+s21+$0x0], $0xffff  }
0x19f: {  	[tilespmem:s3+$0x10] =	vst v21;
	v9 =	vld.idx.msk [tilespmem:v11+s21+$0x0], $0xffff  }
0x1a0: {  	[tilespmem:s3+$0x20] =	vst v22;
	v10 =	vld.idx.msk [tilespmem:v12+s21+$0x0], $0xffff  }
0x1a1: {  	s5 =	simm.s32 $0x11540;
	[tilespmem:s3+$0xFFFFFFC0] =	vst v62;
	v11 =	vld.idx.msk [tilespmem:v13+s21+$0x0], $0xffff  }
0x1a2: {  	v12 =	vld.idx.msk [tilespmem:v14+s21+$0x0], $0xffff;
	[tilespmem:s5+$0x30] =	vst v16  }
0x1a3: {  	s6 =	simm.s32 $0x0;
	s11 =	simm.s32 $0xC0;
	v13 =	vld.idx.msk [tilespmem:v15+s21+$0x0], $0xffff;
	[tilespmem:s5+$0xFFFFFFD0] =	vst v63  }
.LBB2_10:
0x1a4: {  	v14 =	vld [tilespmem:s11+$0x30];
	s6 =	sadd.s32 $0x80, s6;
	[tilespmem:s5+$0xFFFFFFE0] =	vst v8  }
0x1a5: {  	v8 =	vld [tilespmem:s11+$0xFFFFFFD0];
	p0 =	slt.u32 s6, $0x1300;
	[tilespmem:s5+$0xFFFFFFF0] =	vst v9  }
0x1a6: {  	v9 =	vld [tilespmem:s11+$0xFFFFFFE0];
	[tilespmem:s5+$0x0] =	vst v10  }
0x1a7: {  	v10 =	vld [tilespmem:s11+$0xFFFFFFF0];
	[tilespmem:s5+$0x10] =	vst v11  }
0x1a8: {  	v11 =	vld [tilespmem:s11+$0x0];
	[tilespmem:s5+$0x20] =	vst v12  }
0x1a9: {  	v12 =	vld [tilespmem:s11+$0x10];
	[tilespmem:s5+$0xFFFFFFC0] =	vst v13  }
0x1aa: {  	v13 =	vld [tilespmem:s11+$0x20]  }
0x1ab: {  	v15 =	vld [tilespmem:s11+$0xFFFFFFC0]  }
0x1ac: {  	v16 =	vld.idx.msk [tilespmem:v14+s20+$0x0], $0xffff  }
0x1ad: {  	v17 =	vld.idx.msk [tilespmem:v8+s20+$0x0], $0xffff  }
0x1ae: {  	v18 =	vld.idx.msk [tilespmem:v9+s20+$0x0], $0xffff  }
0x1af: {  	v19 =	vld.idx.msk [tilespmem:v10+s20+$0x0], $0xffff  }
0x1b0: {  	v20 =	vld.idx.msk [tilespmem:v11+s20+$0x0], $0xffff  }
0x1b1: {  	s3 =	sadd.s32 $0x80, s3;
	v21 =	vld.idx.msk [tilespmem:v12+s20+$0x0], $0xffff  }
0x1b2: {  	v22 =	vld.idx.msk [tilespmem:v13+s20+$0x0], $0xffff;
	[tilespmem:s3+$0x30] =	vst v16  }
0x1b3: {  	[tilespmem:s3+$0xFFFFFFD0] =	vst v17;
	v14 =	vld.idx.msk [tilespmem:v14+s21+$0x0], $0xffff  }
0x1b4: {  	v16 =	vld.idx.msk [tilespmem:v15+s20+$0x0], $0xffff;
	[tilespmem:s3+$0xFFFFFFE0] =	vst v18  }
0x1b5: {  	v17 =	vld.idx.msk [tilespmem:v8+s21+$0x0], $0xffff;
	[tilespmem:s3+$0xFFFFFFF0] =	vst v19  }
0x1b6: {  	v8 =	vld.idx.msk [tilespmem:v9+s21+$0x0], $0xffff;
	[tilespmem:s3+$0x0] =	vst v20  }
.Ltmp8:
0x1b7: {  	v9 =	vld.idx.msk [tilespmem:v10+s21+$0x0], $0xffff;
	[tilespmem:s3+$0x10] =	vst v21;
	(pc) =	sbr.rel @p0 .LBB2_10-.Ltmp8, $4  }
0x1b8: {  	s5 =	sadd.s32 $0x80, s5;
	v10 =	vld.idx.msk [tilespmem:v11+s21+$0x0], $0xffff;
	[tilespmem:s3+$0x20] =	vst v22  }
0x1b9: {  	v11 =	vld.idx.msk [tilespmem:v12+s21+$0x0], $0xffff;
	[tilespmem:s5+$0x30] =	vst v14  }
0x1ba: {  	[tilespmem:s3+$0xFFFFFFC0] =	vst v16;
	v12 =	vld.idx.msk [tilespmem:v13+s21+$0x0], $0xffff  }
0x1bb: {  	s11 =	sadd.s32 $0x80, s11;
	v13 =	vld.idx.msk [tilespmem:v15+s21+$0x0], $0xffff;
	[tilespmem:s5+$0xFFFFFFD0] =	vst v17  }
0x1bc: {  	[tilespmem:s5+$0xFFFFFFE0] =	vst v8  }
0x1bd: {  	[tilespmem:s5+$0xFFFFFFF0] =	vst v9  }
0x1be: {  	[tilespmem:s5+$0x0] =	vst v10  }
0x1bf: {  	[tilespmem:s5+$0x10] =	vst v11  }
0x1c0: {  	[tilespmem:s5+$0x20] =	vst v12  }
0x1c1: {  	[tilespmem:s5+$0xFFFFFFC0] =	vst v13  }
0x1c2: {  	v8 =	vld.idx.msk [tilespmem:v6+s8+$0x0], $0xffff;
	_ =	sdelay $0x4  }
0x1c3: {  	v8 =	vnsel vm0, $0x0, v8;
	_ =	sdelay $0x4  }
0x1c4: {  	v9 =	vld.idx.msk [tilespmem:v8+s20+$0x0], $0xffff;
	_ =	sdelay $0x3  }
0x1c5: {  	s6 =	simm.s32 $0x10100  }
0x1c6: {  	s3 =	sadd.s32 s9, s28;
	[tilespmem:v7+s6+$0x0] =	vst.idx.msk $0xff, v9  }
0x1c7: {  	s12 =	sshrl.u32 s3, $0x3;
	v8 =	vld.idx.msk [tilespmem:v8+s21+$0x0], $0xffff  }
0x1c8: {  	s3 =	sshll.u32 s3, $0x7;
	s5 =	smul.u32 $0xA000, s12  }
0x1c9: {  	s3 =	sand.u32 $0x300, s3  }
0x1ca: {  	s3 =	sor.u32 s3, s5  }
0x1cb: {  	s14 =	simm.s32 $0x11500;
	s3 =	sshrl.u32 s3, $0x3  }
0x1cc: {  	s3 =	sadd.s32 s13, s3;
	[tilespmem:v7+s14+$0x0] =	vst.idx.msk $0xff, v8  }
0x1cd: {  	[hbm4b:s3+s18] =	stream.strided.scatter [tilespmem:s6], [sflag:$0x4], $0x1400, s19, s18, $0x38;
	[tilespmem:$0x1DD00] =	vst v63  }
0x1ce: {  	s3 =	sadd.s32 $0x10, s3  }
0x1cf: {  	[hbm4b:s3+s18] =	stream.strided.scatter [tilespmem:s14], [sflag:$0x4], $0x1400, s19, s18, $0x38;
	[tilespmem:$0x1DD00] =	vst v63  }
.LBB2_12:
0x1d0: {  	s3 =	sadd.s32 $0x6, s28  }
0x1d1: {  	p0 =	sge.u32 s3, s10  }
0x1d2: {  	s3 =	sadd.s32 @!p0 s9, s3  }
0x1d3: {  	v8 =	vmov @!p0 s3  }
0x1d4: {  	v8 =	vand.u32 @!p0 $0xFFFFFFFE, v8  }
0x1d5: {  	v8 =	vbroadcast @!p0 v8, $0x0;
	_ =	sdelay $0x4  }
0x1d6: {  	s3 =	simm.s32 @!p0 $0x0  }
0x1d7: {  	v8 =	vld.idx.msk @!p0 [tilespmem:v8+s3+$0x0], $0xffff;
	_ =	sdelay $0x4  }
0x1d8: {  	v8 =	vxor.u32 @!p0 $0x80000000, v8  }
0x1d9: {  	(xrf0) =	vmax.scan.msk.u32 @!p0 $0xffff, v8;
	_ =	sdelay $0x5  }
0x1da: {  	v8, _, _ =	vpop @!p0 (xrf0)  }
0x1db: {  	(v2sf) =	vpush @!p0 v8, $0xF;
	_ =	sdelay $0xe  }
0x1dc: {  	s5 =	spop @!p0 (v2sf)  }
0x1dd: {  	s6 =	sshrl.u32 @!p0 s5, $0x3  }
0x1de: {  	s11 =	sadd.s32 @!p0 s28, s30;
	s5 =	sshll.u32 @!p0 s5, $0x7;
	s6 =	smul.u32 @!p0 $0x13C00, s6  }
0x1df: {  	v8 =	vmov @!p0 s11;
	s5 =	sand.u32 @!p0 $0x380, s5  }
0x1e0: {  	s5 =	sor.u32 @!p0 s5, s6  }
0x1e1: {  	s12 =	simm.s32 @!p0 $0x1400;
	s5 =	sshrl.u32 @!p0 s5, $0x3  }
0x1e2: {  	s11 =	simm.s32 @!p0 $0x400;
	s6 =	simm.s32 @!p0 $0x80;
	s5 =	sadd.s32 @!p0 s1, s5  }
0x1e3: {  	[tilespmem:s12], [sflag:$0x1] =	stream.strided.gather @!p0 [hbm4b:s5+s6], $0x2780, s11, s6, $0x38;
	[tilespmem:$0x1DD00] =	vst v63  }
0x1e4: {  	v8 =	vld.idx.msk @!p0 [tilespmem:v8+s3+$0x0], $0xffff;
	_ =	sdelay $0x4  }
0x1e5: {  	v8 =	vxor.u32 @!p0 $0x80000000, v8  }
0x1e6: {  	(xrf0) =	vmax.scan.msk.u32 @!p0 $0xffff, v8;
	_ =	sdelay $0x5  }
0x1e7: {  	v8, _, _ =	vpop @!p0 (xrf0)  }
0x1e8: {  	(v2sf) =	vpush @!p0 v8, $0xF;
	_ =	sdelay $0xe  }
0x1e9: {  	s3 =	spop @!p0 (v2sf)  }
0x1ea: {  	s5 =	sshrl.u32 @!p0 s3, $0x3  }
0x1eb: {  	s3 =	sshll.u32 @!p0 s3, $0x7;
	s5 =	smul.u32 @!p0 $0x13C00, s5  }
0x1ec: {  	s3 =	sand.u32 @!p0 $0x380, s3  }
0x1ed: {  	s3 =	sor.u32 @!p0 s3, s5  }
0x1ee: {  	s3 =	sshrl.u32 @!p0 s3, $0x3  }
0x1ef: {  	s5 =	simm.s32 @!p0 $0x3B80;
	s3 =	sadd.s32 @!p0 s1, s3  }
0x1f0: {  	[tilespmem:s5], [sflag:$0x1] =	stream.strided.gather @!p0 [hbm4b:s3+s6], $0x2780, s11, s6, $0x38;
	[tilespmem:$0x1DD00] =	vst v63  }
0x1f1: {  	s5 =	simm.s32 @!p1 $0x4;
	s3 =	sadd.s32 $0x2, s28  }
0x1f2: {  	_ =	swait.ge @!p1 [sflag:s5], $0x1400;
	p0 =	sge.u32 s3, s10  }
.Ltmp9:
0x1f3: {  	[sflag:s5] =	ssyncset.done @!p1 $0x0;
	(pc) =	sbr.rel @p0 .LBB2_16-.Ltmp9, $4  }
0x1f4: {  	[sflag:s5] =	ssyncadd.s32 @!p1 $0xFFFFEC00  }
0x1f5: {  	_ =	swait.ge @!p1 [sflag:s5], $0x1400  }
0x1f6: {  	[sflag:s5] =	ssyncset.done @!p1 $0x0  }
0x1f7: {  	[sflag:s5] =	ssyncadd.s32 @!p1 $0xFFFFEC00  }
0x1f8: {  	_ =	swait.ge [sflag:s0], $0x2780  }
0x1f9: {  	[sflag:s0] =	ssyncset.done $0x0  }
0x1fa: {  	[sflag:s0] =	ssyncadd.s32 $0xFFFFD880  }
0x1fb: {  	_ =	swait.ge [sflag:s0], $0x2780  }
0x1fc: {  	[sflag:s0] =	ssyncset.done $0x0  }
0x1fd: {  	s5 =	simm.s32 $0x40;
	[sflag:s0] =	ssyncadd.s32 $0xFFFFD880  }
0x1fe: {  	v8 =	vld [tilespmem:s5+$0x30]  }
0x1ff: {  	v9 =	vld [tilespmem:s5+$0xFFFFFFD0]  }
0x200: {  	v10 =	vld [tilespmem:s5+$0xFFFFFFE0]  }
0x201: {  	v11 =	vld [tilespmem:s5+$0xFFFFFFF0]  }
0x202: {  	v12 =	vld [tilespmem:s5+$0x0]  }
0x203: {  	v13 =	vld [tilespmem:s5+$0x10]  }
0x204: {  	v14 =	vld [tilespmem:s5+$0x20]  }
0x205: {  	v15 =	vld [tilespmem:s5+$0xFFFFFFC0]  }
0x206: {  	v16 =	vld.idx.msk [tilespmem:v8+s22+$0x0], $0xffff  }
0x207: {  	v17 =	vld.idx.msk [tilespmem:v9+s22+$0x0], $0xffff  }
0x208: {  	v18 =	vld.idx.msk [tilespmem:v10+s22+$0x0], $0xffff  }
0x209: {  	v19 =	vld.idx.msk [tilespmem:v11+s22+$0x0], $0xffff  }
0x20a: {  	v20 =	vld.idx.msk [tilespmem:v12+s22+$0x0], $0xffff  }
0x20b: {  	s5 =	simm.s32 $0x12940;
	v21 =	vld.idx.msk [tilespmem:v13+s22+$0x0], $0xffff  }
0x20c: {  	v22 =	vld.idx.msk [tilespmem:v14+s22+$0x0], $0xffff;
	[tilespmem:s5+$0x30] =	vst v16  }
0x20d: {  	v62 =	vld.idx.msk [tilespmem:v15+s22+$0x0], $0xffff;
	[tilespmem:s5+$0xFFFFFFD0] =	vst v17  }
0x20e: {  	[tilespmem:s5+$0xFFFFFFE0] =	vst v18;
	v16 =	vld.idx.msk [tilespmem:v8+s23+$0x0], $0xffff  }
0x20f: {  	[tilespmem:s5+$0xFFFFFFF0] =	vst v19;
	v63 =	vld.idx.msk [tilespmem:v9+s23+$0x0], $0xffff  }
0x210: {  	[tilespmem:s5+$0x0] =	vst v20;
	v8 =	vld.idx.msk [tilespmem:v10+s23+$0x0], $0xffff  }
0x211: {  	[tilespmem:s5+$0x10] =	vst v21;
	v9 =	vld.idx.msk [tilespmem:v11+s23+$0x0], $0xffff  }
0x212: {  	[tilespmem:s5+$0x20] =	vst v22;
	v10 =	vld.idx.msk [tilespmem:v12+s23+$0x0], $0xffff  }
0x213: {  	s14 =	simm.s32 $0x13D40;
	[tilespmem:s5+$0xFFFFFFC0] =	vst v62;
	v11 =	vld.idx.msk [tilespmem:v13+s23+$0x0], $0xffff  }
0x214: {  	v12 =	vld.idx.msk [tilespmem:v14+s23+$0x0], $0xffff;
	[tilespmem:s14+$0x30] =	vst v16  }
0x215: {  	s6 =	simm.s32 $0x0;
	s11 =	simm.s32 $0xC0;
	v13 =	vld.idx.msk [tilespmem:v15+s23+$0x0], $0xffff;
	[tilespmem:s14+$0xFFFFFFD0] =	vst v63  }
.LBB2_14:
0x216: {  	v14 =	vld [tilespmem:s11+$0x30];
	s6 =	sadd.s32 $0x80, s6;
	[tilespmem:s14+$0xFFFFFFE0] =	vst v8  }
0x217: {  	v8 =	vld [tilespmem:s11+$0xFFFFFFD0];
	p1 =	slt.u32 s6, $0x1300;
	[tilespmem:s14+$0xFFFFFFF0] =	vst v9  }
0x218: {  	v9 =	vld [tilespmem:s11+$0xFFFFFFE0];
	[tilespmem:s14+$0x0] =	vst v10  }
0x219: {  	v10 =	vld [tilespmem:s11+$0xFFFFFFF0];
	[tilespmem:s14+$0x10] =	vst v11  }
0x21a: {  	v11 =	vld [tilespmem:s11+$0x0];
	[tilespmem:s14+$0x20] =	vst v12  }
0x21b: {  	v12 =	vld [tilespmem:s11+$0x10];
	[tilespmem:s14+$0xFFFFFFC0] =	vst v13  }
0x21c: {  	v13 =	vld [tilespmem:s11+$0x20]  }
0x21d: {  	v15 =	vld [tilespmem:s11+$0xFFFFFFC0]  }
0x21e: {  	v16 =	vld.idx.msk [tilespmem:v14+s22+$0x0], $0xffff  }
0x21f: {  	v17 =	vld.idx.msk [tilespmem:v8+s22+$0x0], $0xffff  }
0x220: {  	v18 =	vld.idx.msk [tilespmem:v9+s22+$0x0], $0xffff  }
0x221: {  	v19 =	vld.idx.msk [tilespmem:v10+s22+$0x0], $0xffff  }
0x222: {  	v20 =	vld.idx.msk [tilespmem:v11+s22+$0x0], $0xffff  }
0x223: {  	s5 =	sadd.s32 $0x80, s5;
	v21 =	vld.idx.msk [tilespmem:v12+s22+$0x0], $0xffff  }
0x224: {  	v22 =	vld.idx.msk [tilespmem:v13+s22+$0x0], $0xffff;
	[tilespmem:s5+$0x30] =	vst v16  }
0x225: {  	[tilespmem:s5+$0xFFFFFFD0] =	vst v17;
	v14 =	vld.idx.msk [tilespmem:v14+s23+$0x0], $0xffff  }
0x226: {  	v16 =	vld.idx.msk [tilespmem:v15+s22+$0x0], $0xffff;
	[tilespmem:s5+$0xFFFFFFE0] =	vst v18  }
0x227: {  	v17 =	vld.idx.msk [tilespmem:v8+s23+$0x0], $0xffff;
	[tilespmem:s5+$0xFFFFFFF0] =	vst v19  }
0x228: {  	v8 =	vld.idx.msk [tilespmem:v9+s23+$0x0], $0xffff;
	[tilespmem:s5+$0x0] =	vst v20  }
.Ltmp10:
0x229: {  	v9 =	vld.idx.msk [tilespmem:v10+s23+$0x0], $0xffff;
	[tilespmem:s5+$0x10] =	vst v21;
	(pc) =	sbr.rel @p1 .LBB2_14-.Ltmp10, $4  }
0x22a: {  	s14 =	sadd.s32 $0x80, s14;
	v10 =	vld.idx.msk [tilespmem:v11+s23+$0x0], $0xffff;
	[tilespmem:s5+$0x20] =	vst v22  }
0x22b: {  	v11 =	vld.idx.msk [tilespmem:v12+s23+$0x0], $0xffff;
	[tilespmem:s14+$0x30] =	vst v14  }
0x22c: {  	[tilespmem:s5+$0xFFFFFFC0] =	vst v16;
	v12 =	vld.idx.msk [tilespmem:v13+s23+$0x0], $0xffff  }
0x22d: {  	s11 =	sadd.s32 $0x80, s11;
	v13 =	vld.idx.msk [tilespmem:v15+s23+$0x0], $0xffff;
	[tilespmem:s14+$0xFFFFFFD0] =	vst v17  }
0x22e: {  	[tilespmem:s14+$0xFFFFFFE0] =	vst v8  }
0x22f: {  	[tilespmem:s14+$0xFFFFFFF0] =	vst v9  }
0x230: {  	[tilespmem:s14+$0x0] =	vst v10  }
0x231: {  	[tilespmem:s14+$0x10] =	vst v11  }
0x232: {  	[tilespmem:s14+$0x20] =	vst v12  }
0x233: {  	[tilespmem:s14+$0xFFFFFFC0] =	vst v13  }
0x234: {  	v8 =	vld.idx.msk [tilespmem:v6+s8+$0x0], $0xffff;
	_ =	sdelay $0x4  }
0x235: {  	v8 =	vnsel vm0, $0x0, v8;
	_ =	sdelay $0x4  }
0x236: {  	v9 =	vld.idx.msk [tilespmem:v8+s22+$0x0], $0xffff;
	_ =	sdelay $0x3  }
0x237: {  	s6 =	simm.s32 $0x12900  }
0x238: {  	s3 =	sadd.s32 s9, s3;
	[tilespmem:v7+s6+$0x0] =	vst.idx.msk $0xff, v9  }
0x239: {  	s5 =	sshrl.u32 s3, $0x3;
	v8 =	vld.idx.msk [tilespmem:v8+s23+$0x0], $0xffff  }
0x23a: {  	s3 =	sshll.u32 s3, $0x7;
	s5 =	smul.u32 $0xA000, s5  }
0x23b: {  	s3 =	sand.u32 $0x300, s3  }
0x23c: {  	s3 =	sor.u32 s3, s5  }
0x23d: {  	s14 =	simm.s32 $0x13D00;
	s3 =	sshrl.u32 s3, $0x3  }
0x23e: {  	s3 =	sadd.s32 s13, s3;
	[tilespmem:v7+s14+$0x0] =	vst.idx.msk $0xff, v8  }
0x23f: {  	[hbm4b:s3+s18] =	stream.strided.scatter [tilespmem:s6], [sflag:$0x5], $0x1400, s19, s18, $0x38;
	[tilespmem:$0x1DD00] =	vst v63  }
0x240: {  	s3 =	sadd.s32 $0x10, s3  }
0x241: {  	[hbm4b:s3+s18] =	stream.strided.scatter [tilespmem:s14], [sflag:$0x5], $0x1400, s19, s18, $0x38;
	[tilespmem:$0x1DD00] =	vst v63  }
.LBB2_16:
0x242: {  	s3 =	sadd.s32 $0x8, s28  }
0x243: {  	p1 =	sge.u32 s3, s10  }
0x244: {  	s3 =	sadd.s32 @!p1 s9, s3  }
0x245: {  	v8 =	vmov @!p1 s3  }
0x246: {  	v8 =	vand.u32 @!p1 $0xFFFFFFFE, v8  }
0x247: {  	v8 =	vbroadcast @!p1 v8, $0x0;
	_ =	sdelay $0x4  }
0x248: {  	s3 =	simm.s32 @!p1 $0x0  }
0x249: {  	v8 =	vld.idx.msk @!p1 [tilespmem:v8+s3+$0x0], $0xffff;
	_ =	sdelay $0x4  }
0x24a: {  	v8 =	vxor.u32 @!p1 $0x80000000, v8  }
0x24b: {  	(xrf0) =	vmax.scan.msk.u32 @!p1 $0xffff, v8;
	_ =	sdelay $0x5  }
0x24c: {  	v8, _, _ =	vpop @!p1 (xrf0)  }
0x24d: {  	(v2sf) =	vpush @!p1 v8, $0xF;
	_ =	sdelay $0xe  }
0x24e: {  	s5 =	spop @!p1 (v2sf)  }
0x24f: {  	s6 =	sshrl.u32 @!p1 s5, $0x3  }
0x250: {  	s11 =	sadd.s32 @!p1 s28, s31;
	s5 =	sshll.u32 @!p1 s5, $0x7;
	s6 =	smul.u32 @!p1 $0x13C00, s6  }
0x251: {  	v8 =	vmov @!p1 s11;
	s5 =	sand.u32 @!p1 $0x380, s5  }
0x252: {  	s5 =	sor.u32 @!p1 s5, s6  }
0x253: {  	s12 =	simm.s32 @!p1 $0x6300;
	s5 =	sshrl.u32 @!p1 s5, $0x3  }
0x254: {  	s11 =	simm.s32 @!p1 $0x400;
	s6 =	simm.s32 @!p1 $0x80;
	s5 =	sadd.s32 @!p1 s1, s5  }
0x255: {  	[tilespmem:s12], [sflag:$0x2] =	stream.strided.gather @!p1 [hbm4b:s5+s6], $0x2780, s11, s6, $0x38;
	[tilespmem:$0x1DD00] =	vst v63  }
0x256: {  	v8 =	vld.idx.msk @!p1 [tilespmem:v8+s3+$0x0], $0xffff;
	_ =	sdelay $0x4  }
0x257: {  	v8 =	vxor.u32 @!p1 $0x80000000, v8  }
0x258: {  	(xrf0) =	vmax.scan.msk.u32 @!p1 $0xffff, v8;
	_ =	sdelay $0x5  }
0x259: {  	v8, _, _ =	vpop @!p1 (xrf0)  }
0x25a: {  	(v2sf) =	vpush @!p1 v8, $0xF;
	_ =	sdelay $0xe  }
0x25b: {  	s3 =	spop @!p1 (v2sf)  }
0x25c: {  	s5 =	sshrl.u32 @!p1 s3, $0x3  }
0x25d: {  	s3 =	sshll.u32 @!p1 s3, $0x7;
	s5 =	smul.u32 @!p1 $0x13C00, s5  }
0x25e: {  	s3 =	sand.u32 @!p1 $0x380, s3  }
0x25f: {  	s3 =	sor.u32 @!p1 s3, s5  }
0x260: {  	s3 =	sshrl.u32 @!p1 s3, $0x3  }
0x261: {  	s5 =	simm.s32 @!p1 $0x8A80;
	s3 =	sadd.s32 @!p1 s1, s3  }
0x262: {  	[tilespmem:s5], [sflag:$0x2] =	stream.strided.gather @!p1 [hbm4b:s3+s6], $0x2780, s11, s6, $0x38;
	[tilespmem:$0x1DD00] =	vst v63  }
0x263: {  	s5 =	simm.s32 @!p0 $0x5;
	s3 =	sadd.s32 $0x4, s28  }
0x264: {  	_ =	swait.ge @!p0 [sflag:s5], $0x1400;
	p1 =	sge.u32 s3, s10  }
.Ltmp11:
0x265: {  	[sflag:s5] =	ssyncset.done @!p0 $0x0;
	(pc) =	sbr.rel @p1 .LBB2_20-.Ltmp11, $4  }
0x266: {  	[sflag:s5] =	ssyncadd.s32 @!p0 $0xFFFFEC00  }
0x267: {  	_ =	swait.ge @!p0 [sflag:s5], $0x1400  }
0x268: {  	[sflag:s5] =	ssyncset.done @!p0 $0x0  }
0x269: {  	[sflag:s5] =	ssyncadd.s32 @!p0 $0xFFFFEC00  }
0x26a: {  	_ =	swait.ge [sflag:s4], $0x2780  }
0x26b: {  	[sflag:s4] =	ssyncset.done $0x0  }
0x26c: {  	[sflag:s4] =	ssyncadd.s32 $0xFFFFD880  }
0x26d: {  	_ =	swait.ge [sflag:s4], $0x2780  }
0x26e: {  	[sflag:s4] =	ssyncset.done $0x0  }
0x26f: {  	s5 =	simm.s32 $0x40;
	[sflag:s4] =	ssyncadd.s32 $0xFFFFD880  }
0x270: {  	v8 =	vld [tilespmem:s5+$0x30]  }
0x271: {  	v9 =	vld [tilespmem:s5+$0xFFFFFFD0]  }
0x272: {  	v10 =	vld [tilespmem:s5+$0xFFFFFFE0]  }
0x273: {  	v11 =	vld [tilespmem:s5+$0xFFFFFFF0]  }
0x274: {  	v12 =	vld [tilespmem:s5+$0x0]  }
0x275: {  	v13 =	vld [tilespmem:s5+$0x10]  }
0x276: {  	v14 =	vld [tilespmem:s5+$0x20]  }
0x277: {  	v15 =	vld [tilespmem:s5+$0xFFFFFFC0]  }
0x278: {  	v16 =	vld.idx.msk [tilespmem:v8+s24+$0x0], $0xffff  }
0x279: {  	v17 =	vld.idx.msk [tilespmem:v9+s24+$0x0], $0xffff  }
0x27a: {  	v18 =	vld.idx.msk [tilespmem:v10+s24+$0x0], $0xffff  }
0x27b: {  	v19 =	vld.idx.msk [tilespmem:v11+s24+$0x0], $0xffff  }
0x27c: {  	v20 =	vld.idx.msk [tilespmem:v12+s24+$0x0], $0xffff  }
0x27d: {  	s5 =	simm.s32 $0x15140;
	v21 =	vld.idx.msk [tilespmem:v13+s24+$0x0], $0xffff  }
0x27e: {  	v22 =	vld.idx.msk [tilespmem:v14+s24+$0x0], $0xffff;
	[tilespmem:s5+$0x30] =	vst v16  }
0x27f: {  	v62 =	vld.idx.msk [tilespmem:v15+s24+$0x0], $0xffff;
	[tilespmem:s5+$0xFFFFFFD0] =	vst v17  }
0x280: {  	[tilespmem:s5+$0xFFFFFFE0] =	vst v18;
	v16 =	vld.idx.msk [tilespmem:v8+s25+$0x0], $0xffff  }
0x281: {  	[tilespmem:s5+$0xFFFFFFF0] =	vst v19;
	v63 =	vld.idx.msk [tilespmem:v9+s25+$0x0], $0xffff  }
0x282: {  	[tilespmem:s5+$0x0] =	vst v20;
	v8 =	vld.idx.msk [tilespmem:v10+s25+$0x0], $0xffff  }
0x283: {  	[tilespmem:s5+$0x10] =	vst v21;
	v9 =	vld.idx.msk [tilespmem:v11+s25+$0x0], $0xffff  }
0x284: {  	[tilespmem:s5+$0x20] =	vst v22;
	v10 =	vld.idx.msk [tilespmem:v12+s25+$0x0], $0xffff  }
0x285: {  	s14 =	simm.s32 $0x16540;
	[tilespmem:s5+$0xFFFFFFC0] =	vst v62;
	v11 =	vld.idx.msk [tilespmem:v13+s25+$0x0], $0xffff  }
0x286: {  	v12 =	vld.idx.msk [tilespmem:v14+s25+$0x0], $0xffff;
	[tilespmem:s14+$0x30] =	vst v16  }
0x287: {  	s6 =	simm.s32 $0x0;
	s11 =	simm.s32 $0xC0;
	v13 =	vld.idx.msk [tilespmem:v15+s25+$0x0], $0xffff;
	[tilespmem:s14+$0xFFFFFFD0] =	vst v63  }
.LBB2_18:
0x288: {  	v14 =	vld [tilespmem:s11+$0x30];
	s6 =	sadd.s32 $0x80, s6;
	[tilespmem:s14+$0xFFFFFFE0] =	vst v8  }
0x289: {  	v8 =	vld [tilespmem:s11+$0xFFFFFFD0];
	p0 =	slt.u32 s6, $0x1300;
	[tilespmem:s14+$0xFFFFFFF0] =	vst v9  }
0x28a: {  	v9 =	vld [tilespmem:s11+$0xFFFFFFE0];
	[tilespmem:s14+$0x0] =	vst v10  }
0x28b: {  	v10 =	vld [tilespmem:s11+$0xFFFFFFF0];
	[tilespmem:s14+$0x10] =	vst v11  }
0x28c: {  	v11 =	vld [tilespmem:s11+$0x0];
	[tilespmem:s14+$0x20] =	vst v12  }
0x28d: {  	v12 =	vld [tilespmem:s11+$0x10];
	[tilespmem:s14+$0xFFFFFFC0] =	vst v13  }
0x28e: {  	v13 =	vld [tilespmem:s11+$0x20]  }
0x28f: {  	v15 =	vld [tilespmem:s11+$0xFFFFFFC0]  }
0x290: {  	v16 =	vld.idx.msk [tilespmem:v14+s24+$0x0], $0xffff  }
0x291: {  	v17 =	vld.idx.msk [tilespmem:v8+s24+$0x0], $0xffff  }
0x292: {  	v18 =	vld.idx.msk [tilespmem:v9+s24+$0x0], $0xffff  }
0x293: {  	v19 =	vld.idx.msk [tilespmem:v10+s24+$0x0], $0xffff  }
0x294: {  	v20 =	vld.idx.msk [tilespmem:v11+s24+$0x0], $0xffff  }
0x295: {  	s5 =	sadd.s32 $0x80, s5;
	v21 =	vld.idx.msk [tilespmem:v12+s24+$0x0], $0xffff  }
0x296: {  	v22 =	vld.idx.msk [tilespmem:v13+s24+$0x0], $0xffff;
	[tilespmem:s5+$0x30] =	vst v16  }
0x297: {  	[tilespmem:s5+$0xFFFFFFD0] =	vst v17;
	v14 =	vld.idx.msk [tilespmem:v14+s25+$0x0], $0xffff  }
0x298: {  	v16 =	vld.idx.msk [tilespmem:v15+s24+$0x0], $0xffff;
	[tilespmem:s5+$0xFFFFFFE0] =	vst v18  }
0x299: {  	v17 =	vld.idx.msk [tilespmem:v8+s25+$0x0], $0xffff;
	[tilespmem:s5+$0xFFFFFFF0] =	vst v19  }
0x29a: {  	v8 =	vld.idx.msk [tilespmem:v9+s25+$0x0], $0xffff;
	[tilespmem:s5+$0x0] =	vst v20  }
.Ltmp12:
0x29b: {  	v9 =	vld.idx.msk [tilespmem:v10+s25+$0x0], $0xffff;
	[tilespmem:s5+$0x10] =	vst v21;
	(pc) =	sbr.rel @p0 .LBB2_18-.Ltmp12, $4  }
0x29c: {  	s14 =	sadd.s32 $0x80, s14;
	v10 =	vld.idx.msk [tilespmem:v11+s25+$0x0], $0xffff;
	[tilespmem:s5+$0x20] =	vst v22  }
0x29d: {  	v11 =	vld.idx.msk [tilespmem:v12+s25+$0x0], $0xffff;
	[tilespmem:s14+$0x30] =	vst v14  }
0x29e: {  	[tilespmem:s5+$0xFFFFFFC0] =	vst v16;
	v12 =	vld.idx.msk [tilespmem:v13+s25+$0x0], $0xffff  }
0x29f: {  	s11 =	sadd.s32 $0x80, s11;
	v13 =	vld.idx.msk [tilespmem:v15+s25+$0x0], $0xffff;
	[tilespmem:s14+$0xFFFFFFD0] =	vst v17  }
0x2a0: {  	[tilespmem:s14+$0xFFFFFFE0] =	vst v8  }
0x2a1: {  	[tilespmem:s14+$0xFFFFFFF0] =	vst v9  }
0x2a2: {  	[tilespmem:s14+$0x0] =	vst v10  }
0x2a3: {  	[tilespmem:s14+$0x10] =	vst v11  }
0x2a4: {  	[tilespmem:s14+$0x20] =	vst v12  }
0x2a5: {  	[tilespmem:s14+$0xFFFFFFC0] =	vst v13  }
0x2a6: {  	v8 =	vld.idx.msk [tilespmem:v6+s8+$0x0], $0xffff;
	_ =	sdelay $0x4  }
0x2a7: {  	v8 =	vnsel vm0, $0x0, v8;
	_ =	sdelay $0x4  }
0x2a8: {  	v9 =	vld.idx.msk [tilespmem:v8+s24+$0x0], $0xffff;
	_ =	sdelay $0x3  }
0x2a9: {  	s6 =	simm.s32 $0x15100  }
0x2aa: {  	s3 =	sadd.s32 s9, s3;
	[tilespmem:v7+s6+$0x0] =	vst.idx.msk $0xff, v9  }
0x2ab: {  	s5 =	sshrl.u32 s3, $0x3;
	v8 =	vld.idx.msk [tilespmem:v8+s25+$0x0], $0xffff  }
0x2ac: {  	s3 =	sshll.u32 s3, $0x7;
	s5 =	smul.u32 $0xA000, s5  }
0x2ad: {  	s3 =	sand.u32 $0x300, s3  }
0x2ae: {  	s3 =	sor.u32 s3, s5  }
.Ltmp13:
0x2af: {  	s14 =	simm.s32 $0x16500;
	s3 =	sshrl.u32 s3, $0x3;
	(pc) =	sbr.rel .LBB2_20-.Ltmp13, $4  }
0x2b0: {  	s3 =	sadd.s32 s13, s3;
	[tilespmem:v7+s14+$0x0] =	vst.idx.msk $0xff, v8  }
0x2b1: {  	[hbm4b:s3+s18] =	stream.strided.scatter [tilespmem:s6], [sflag:$0x6], $0x1400, s19, s18, $0x38;
	[tilespmem:$0x1DD00] =	vst v63  }
0x2b2: {  	s3 =	sadd.s32 $0x10, s3  }
0x2b3: {  	[hbm4b:s3+s18] =	stream.strided.scatter [tilespmem:s14], [sflag:$0x6], $0x1400, s19, s18, $0x38;
	[tilespmem:$0x1DD00] =	vst v63  }
.LBB2_22:
0x2b4: {  	_ =	sfence.sel $0x180000  }
0x2b5: {  	[bflag:$0x0] =	sbarrier.arrive $0xFFFF  }
0x2b6: {  	_ =	strace $0x90000047  }
0x2b7: {  	s0 =	stileid.u32;
	[bflag:$0x2] =	sbarrier.arrive $0xFFFF  }
0x2b8: {  	p0 =	sne.s32 s0, $0x0;
	s0 =	rddreg [dreg:$0x6]  }
0x2b9: {  	s0 =	sadd.s32 @!p0 $0x100000, s0  }
0x2ba: {  	[sflag:s0] =	ssyncadd.tile.s32 @!p0 $0x1;
	_ =	shalt  }
.Lfunc_end2:
_tile_overlayer_lowered:
.L_overlay_start_2:
0x2bb: {  	(tag) =	ssettag $0x2  }
0x2bc: {  	s0 =	rddreg [dreg:$0x0];
	s2 =	stileid.u32  }
0x2bd: {  	s1 =	rddreg [dreg:$0x1];
	p0 =	sne.s32 s2, $0x0  }
0x2be: {  	s3 =	rddreg [dreg:$0x2];
	[bflag:$0x3] =	sbarrier.arrive $0xFFFF;
	s2 =	simm.s32 @!p0 $0x1C09  }
0x2bf: {  	[timem:s3], [sflag:s2] =	dma.local @!p0 [hbm:s0], s1  }
0x2c0: {  	s0 =	simm.s32 @!p0 $0x9  }
0x2c1: {  	_ =	swait.ge @!p0 [sflag:s0], s1  }
0x2c2: {  	s1 =	ssub.s32 @!p0 $0x0, s1;
	[sflag:s0] =	ssyncset.done @!p0 $0x0  }
0x2c3: {  	[sflag:s0] =	ssyncadd.s32 @!p0 s1  }
0x2c4: {  	[bflag:$0x3] =	sbarrier.arrive $0xFFFF  }
0x2c5: {  	_ =	shalt  }

</sc_bundles>
